<compile_context>
chip_gen: v7x
topology: tpu7x:2x2x1
jax: 0.10.2.dev20260603
libtpu: 0.0.44.dev20260713+nightly
codegen_flags: <defaults>
</compile_context>

<pallas_src>
import functools

import jax
import jax.numpy as jnp
from jax import lax
from jax.experimental import pallas as pl
from jax.experimental.pallas import tpu as pltpu
from jax.experimental.pallas import tpu_sc as plsc

NUM_EMB = 1000000
H = 64
BATCH = 4096
HIST = 200

NC = 2
NS = 16
NW = NC * NS

N = BATCH * HIST
M = N // NW
C = 128
K = M // C
NBUF = 8
LAG = 4
T = K // NBUF


def _make_gather():
    mesh = plsc.VectorSubcoreMesh(core_axis_name="c", subcore_axis_name="s")

    @functools.partial(
        pl.kernel,
        mesh=mesh,
        out_type=jax.ShapeDtypeStruct((N, H), jnp.float32),
        scratch_types=[
            pltpu.VMEM((M,), jnp.int32),
            pltpu.VMEM((NBUF, C, H), jnp.float32),
            pltpu.SemaphoreType.DMA((NBUF,)),
            pltpu.SemaphoreType.DMA((NBUF,)),
        ],
        compiler_params=pltpu.CompilerParams(use_tc_tiling_on_sc=False),
    )
    def k(table_hbm, idx_hbm, out_hbm, idx_v, rows_v, gsem, osem):
        wid = lax.axis_index("s") * NC + lax.axis_index("c")
        base = wid * M
        pltpu.sync_copy(idx_hbm.at[pl.ds(base, M)], idx_v)

        def gather_desc(j, slot):
            return pltpu.make_async_copy(
                table_hbm.at[idx_v.at[pl.ds(j * C, C)]],
                rows_v.at[slot],
                gsem.at[slot],
            )

        def store_desc(j, slot):
            return pltpu.make_async_copy(
                rows_v.at[slot],
                out_hbm.at[pl.ds(base + j * C, C)],
                osem.at[slot],
            )

        def round_body(t, carry):
            for b in range(NBUF):
                j = t * NBUF + b
                @pl.when(j >= NBUF)
                def _():
                    store_desc(j - NBUF, b).wait()

                gather_desc(j, b).start()

                j2 = j - LAG
                b2 = (b + NBUF - LAG) % NBUF

                @pl.when(j2 >= 0)
                def _():
                    gather_desc(j2, b2).wait()
                    store_desc(j2, b2).start()

            return carry

        lax.fori_loop(0, T, round_body, 0)

        for b in range(NBUF - LAG, NBUF):
            j2 = K - NBUF + b
            gather_desc(j2, b).wait()
            store_desc(j2, b).start()
        for b in range(NBUF):
            store_desc(K - NBUF + b, b).wait()

    return k


_gather = _make_gather()


@jax.jit
def kernel(input_ids, table):
    ids_flat = input_ids.reshape(-1).astype(jnp.int32)
    out = _gather(table, ids_flat)
    return out.reshape(BATCH, HIST, H)

# --- scband reference (transcript-rebuilt; emitter-appended) ---
"""Pipeline reference for scband-random-embeddings-83940840833714 (READ-ONLY COPY).

The authoritative reference and input builder live on the scoring server;
editing this copy changes nothing except your own understanding.
"""

import jax, jax.numpy as jnp
import numpy as np

NUM_EMBEDDINGS = 1000000
H_DIM = 64
BATCH = 4096
HIST_LEN = 200


def setup_inputs(seed: int = 0) -> dict:
    key = jax.random.key(seed)
    k_idx, k_tab = jax.random.split(key)
    input_ids = jax.random.randint(k_idx, (BATCH, HIST_LEN), 0, NUM_EMBEDDINGS, dtype=jnp.int64 if jax.config.jax_enable_x64 else jnp.int32)
    # torch.nn.Embedding default init: N(0, 1)
    table = jax.random.normal(k_tab, (NUM_EMBEDDINGS, H_DIM), dtype=jnp.float32)
    return {"input_ids": input_ids, "table": table}


def reference(input_ids, table):
    # forward: x = self.embed(input_ids); return [x]
    x = jnp.take(table, input_ids, axis=0)
    return x

if __name__ == "__main__":
    import jax
    _d = setup_inputs()
    print(jax.jit(kernel)(*tuple(_d.values())))

</pallas_src>

<mosaic_0001>
#map = affine_map<(d0, d1) -> (0, 0)>
#map1 = affine_map<(d0, d1) -> (0)>
module attributes {stable_mosaic.version = 14 : i64} {
  func.func @k(%arg0: i32, %arg1: i32, %arg2: memref<1000000x64xf32, #tpu.memory_space<hbm>>, %arg3: memref<819200xi32, #tpu.memory_space<hbm>>, %arg4: memref<819200x64xf32, #tpu.memory_space<hbm>>, %arg5: memref<25600xi32, #tpu.memory_space<vmem>>, %arg6: memref<8x128x64xf32, #tpu.memory_space<vmem>>, %arg7: memref<8x!tpu.dma_semaphore, #tpu.memory_space<semaphore_mem>>, %arg8: memref<8x!tpu.dma_semaphore, #tpu.memory_space<semaphore_mem>>) attributes {dimension_semantics = [#tpu.dimension_semantics<core_parallel>, #tpu.dimension_semantics<subcore_parallel>], iteration_bounds = array<i64: 2, 16>, scalar_prefetch = 0 : i64, scratch_operands = 4 : i64, tpu.core_type = #tpu.core_type<sc_vector_subcore>, window_params = [{transform_indices = #map}, {transform_indices = #map1}, {transform_indices = #map}]} {
    %mul3A = arith.constant 2 : i32
    %mul3A_0 = arith.muli %arg1, %mul3A : i32
    %add3A = arith.addi %mul3A_0, %arg0 : i32
    %mul3A_1 = arith.constant 25600 : i32
    %mul3A_2 = arith.muli %add3A, %mul3A_1 : i32
    "tpu.region"() ({
      %run_scoped3A = tpu.sem_alloc : memref<!tpu.dma_semaphore, #tpu.memory_space<semaphore_mem>>
      %dma_start3A_274 = tpu.memref_slice %arg3[%mul3A_2] : memref<819200xi32, #tpu.memory_space<hbm>> -> memref<25600xi32, #tpu.memory_space<hbm>>
      %dma_start3A_275 = tpu.memref_slice %arg3[%mul3A_2] : memref<819200xi32, #tpu.memory_space<hbm>> -> memref<25600xi32, #tpu.memory_space<hbm>>
      tpu.enqueue_dma source(%dma_start3A_275 : memref<25600xi32, #tpu.memory_space<hbm>>) target(%arg5 : memref<25600xi32, #tpu.memory_space<vmem>>) target_semaphore(%run_scoped3A : memref<!tpu.dma_semaphore, #tpu.memory_space<semaphore_mem>>)
      %dma_wait3A_276 = tpu.memref_slice %arg3[%mul3A_2] : memref<819200xi32, #tpu.memory_space<hbm>> -> memref<25600xi32, #tpu.memory_space<hbm>>
      %dma_wait3A_277 = tpu.memref_slice %arg3[%mul3A_2] : memref<819200xi32, #tpu.memory_space<hbm>> -> memref<25600xi32, #tpu.memory_space<hbm>>
      tpu.wait_dma2 semaphore(%run_scoped3A : memref<!tpu.dma_semaphore, #tpu.memory_space<semaphore_mem>>) src(%dma_wait3A_277 : memref<25600xi32, #tpu.memory_space<hbm>>) dst(%arg5 : memref<25600xi32, #tpu.memory_space<vmem>>)
      tpu.yield
    }) : () -> ()
    %scan3A = arith.constant 0 : i32
    %scan3A_3 = arith.constant 0 : i32
    %scan3A_4 = arith.constant 25 : i32
    %scan3A_5 = arith.addi %scan3A_3, %scan3A_4 : i32
    %scan3A_6 = arith.constant 1 : i32
    scf.for %scan3A_274 = %scan3A_3 to %scan3A_5 step %scan3A_6  : i32 {
      %mul3A_275 = arith.constant 8 : i32
      %mul3A_276 = arith.muli %scan3A_274, %mul3A_275 : i32
      %add3A_277 = arith.constant 0 : i32
      %add3A_278 = arith.addi %mul3A_276, %add3A_277 : i32
      %ge3A = arith.constant 8 : i32
      %ge3A_279 = arith.cmpi sge, %add3A_278, %ge3A : i32
      %convert_element_type3A = arith.extui %ge3A_279 : i1 to i32
      %cond3A = arith.constant 0 : i32
      %cond3A_280 = arith.cmpi ne, %convert_element_type3A, %cond3A : i32
      scf.if %cond3A_280 {
        %sub3A_511 = arith.constant 8 : i32
        %sub3A_512 = arith.subi %add3A_278, %sub3A_511 : i32
        %mul3A_513 = arith.constant 128 : i32
        %mul3A_514 = arith.muli %sub3A_512, %mul3A_513 : i32
        %add3A_515 = arith.addi %mul3A_2, %mul3A_514 : i32
        %dma_wait3A_516 = arith.constant 0 : i32
        %dma_wait3A_517 = arith.constant 0 : i32
        %dma_wait3A_518 = arith.constant 0 : i32
        %dma_wait3A_519 = arith.constant 0 : i32
        %dma_wait3A_520 = tpu.memref_slice %arg6[%dma_wait3A_516, %dma_wait3A_518, %dma_wait3A_519] : memref<8x128x64xf32, #tpu.memory_space<vmem>> -> memref<1x128x64xf32, #tpu.memory_space<vmem>>
        %dma_wait3A_521 = tpu.memref_squeeze %dma_wait3A_520 : memref<1x128x64xf32, #tpu.memory_space<vmem>> -> memref<128x64xf32, #tpu.memory_space<vmem>>
        %dma_wait3A_522 = arith.constant 0 : i32
        %dma_wait3A_523 = tpu.memref_slice %arg4[%add3A_515, %dma_wait3A_522] : memref<819200x64xf32, #tpu.memory_space<hbm>> -> memref<128x64xf32, #tpu.memory_space<hbm>>
        %dma_wait3A_524 = tpu.memref_slice %arg8[%dma_wait3A_517] : memref<8x!tpu.dma_semaphore, #tpu.memory_space<semaphore_mem>> -> memref<1x!tpu.dma_semaphore, #tpu.memory_space<semaphore_mem>>
        %dma_wait3A_525 = tpu.memref_squeeze %dma_wait3A_524 : memref<1x!tpu.dma_semaphore, #tpu.memory_space<semaphore_mem>> -> memref<!tpu.dma_semaphore, #tpu.memory_space<semaphore_mem>>
        %dma_wait3A_526 = arith.constant 0 : i32
        %dma_wait3A_527 = tpu.memref_slice %arg4[%add3A_515, %dma_wait3A_526] : memref<819200x64xf32, #tpu.memory_space<hbm>> -> memref<128x64xf32, #tpu.memory_space<hbm>>
        %dma_wait3A_528 = arith.constant 0 : i32
        %dma_wait3A_529 = arith.constant 0 : i32
        %dma_wait3A_530 = tpu.memref_slice %arg6[%dma_wait3A_516, %dma_wait3A_528, %dma_wait3A_529] : memref<8x128x64xf32, #tpu.memory_space<vmem>> -> memref<1x128x64xf32, #tpu.memory_space<vmem>>
        %dma_wait3A_531 = tpu.memref_squeeze %dma_wait3A_530 : memref<1x128x64xf32, #tpu.memory_space<vmem>> -> memref<128x64xf32, #tpu.memory_space<vmem>>
        tpu.wait_dma2 semaphore(%dma_wait3A_525 : memref<!tpu.dma_semaphore, #tpu.memory_space<semaphore_mem>>) src(%dma_wait3A_531 : memref<128x64xf32, #tpu.memory_space<vmem>>) dst(%dma_wait3A_527 : memref<128x64xf32, #tpu.memory_space<hbm>>)
      } else {
      }
      %mul3A_281 = arith.constant 128 : i32
      %mul3A_282 = arith.muli %add3A_278, %mul3A_281 : i32
      %dma_start3A_283 = arith.constant 0 : i32
      %dma_start3A_284 = arith.constant 0 : i32
      %dma_start3A_285 = arith.constant 0 : i32
      %dma_start3A_286 = arith.constant 0 : i32
      %dma_start3A_287 = tpu.memref_slice %arg6[%dma_start3A_283, %dma_start3A_285, %dma_start3A_286] : memref<8x128x64xf32, #tpu.memory_space<vmem>> -> memref<1x128x64xf32, #tpu.memory_space<vmem>>
      %dma_start3A_288 = tpu.memref_squeeze %dma_start3A_287 : memref<1x128x64xf32, #tpu.memory_space<vmem>> -> memref<128x64xf32, #tpu.memory_space<vmem>>
      %dma_start3A_289 = tpu.memref_slice %arg5[%mul3A_282] : memref<25600xi32, #tpu.memory_space<vmem>> -> memref<128xi32, #tpu.memory_space<vmem>>
      %dma_start3A_290 = arith.constant 0 : i32
      %dma_start3A_291 = arith.constant 0 : i32
      %dma_start3A_292 = tpu.memref_slice %arg2[%dma_start3A_290, %dma_start3A_291] : memref<1000000x64xf32, #tpu.memory_space<hbm>> -> memref<1000000x64xf32, #tpu.memory_space<hbm>>
      %dma_start3A_293 = tpu.memref_slice %arg7[%dma_start3A_284] : memref<8x!tpu.dma_semaphore, #tpu.memory_space<semaphore_mem>> -> memref<1x!tpu.dma_semaphore, #tpu.memory_space<semaphore_mem>>
      %dma_start3A_294 = tpu.memref_squeeze %dma_start3A_293 : memref<1x!tpu.dma_semaphore, #tpu.memory_space<semaphore_mem>> -> memref<!tpu.dma_semaphore, #tpu.memory_space<semaphore_mem>>
      tpu.enqueue_indirect_dma source(%dma_start3A_292 : memref<1000000x64xf32, #tpu.memory_space<hbm>>) target(%dma_start3A_288 : memref<128x64xf32, #tpu.memory_space<vmem>>) offsets(%dma_start3A_289 : memref<128xi32, #tpu.memory_space<vmem>>) semaphore(%dma_start3A_294 : memref<!tpu.dma_semaphore, #tpu.memory_space<semaphore_mem>>)
      %sub3A = arith.constant 4 : i32
      %sub3A_295 = arith.subi %add3A_278, %sub3A : i32
      %ge3A_296 = arith.constant 0 : i32
      %ge3A_297 = arith.cmpi sge, %sub3A_295, %ge3A_296 : i32
      %convert_element_type3A_298 = arith.extui %ge3A_297 : i1 to i32
      %cond3A_299 = arith.constant 0 : i32
      %cond3A_300 = arith.cmpi ne, %convert_element_type3A_298, %cond3A_299 : i32
      scf.if %cond3A_300 {
        %mul3A_511 = arith.constant 128 : i32
        %mul3A_512 = arith.muli %sub3A_295, %mul3A_511 : i32
        %dma_wait3A_513 = arith.constant 4 : i32
        %dma_wait3A_514 = arith.constant 4 : i32
        %dma_wait3A_515 = arith.constant 0 : i32
        %dma_wait3A_516 = arith.constant 0 : i32
        %dma_wait3A_517 = tpu.memref_slice %arg6[%dma_wait3A_513, %dma_wait3A_515, %dma_wait3A_516] : memref<8x128x64xf32, #tpu.memory_space<vmem>> -> memref<1x128x64xf32, #tpu.memory_space<vmem>>
        %dma_wait3A_518 = tpu.memref_squeeze %dma_wait3A_517 : memref<1x128x64xf32, #tpu.memory_space<vmem>> -> memref<128x64xf32, #tpu.memory_space<vmem>>
        %dma_wait3A_519 = tpu.memref_slice %arg5[%mul3A_512] : memref<25600xi32, #tpu.memory_space<vmem>> -> memref<128xi32, #tpu.memory_space<vmem>>
        %dma_wait3A_520 = arith.constant 0 : i32
        %dma_wait3A_521 = arith.constant 0 : i32
        %dma_wait3A_522 = tpu.memref_slice %arg2[%dma_wait3A_520, %dma_wait3A_521] : memref<1000000x64xf32, #tpu.memory_space<hbm>> -> memref<1000000x64xf32, #tpu.memory_space<hbm>>
        %dma_wait3A_523 = tpu.memref_slice %arg7[%dma_wait3A_514] : memref<8x!tpu.dma_semaphore, #tpu.memory_space<semaphore_mem>> -> memref<1x!tpu.dma_semaphore, #tpu.memory_space<semaphore_mem>>
        %dma_wait3A_524 = tpu.memref_squeeze %dma_wait3A_523 : memref<1x!tpu.dma_semaphore, #tpu.memory_space<semaphore_mem>> -> memref<!tpu.dma_semaphore, #tpu.memory_space<semaphore_mem>>
        tpu.wait_indirect_dma semaphore(%dma_wait3A_524 : memref<!tpu.dma_semaphore, #tpu.memory_space<semaphore_mem>>) src(%dma_wait3A_522 : memref<1000000x64xf32, #tpu.memory_space<hbm>>) dst(%dma_wait3A_518 : memref<128x64xf32, #tpu.memory_space<vmem>>)
        %mul3A_525 = arith.constant 128 : i32
        %mul3A_526 = arith.muli %sub3A_295, %mul3A_525 : i32
        %add3A_527 = arith.addi %mul3A_2, %mul3A_526 : i32
        %dma_start3A_528 = arith.constant 4 : i32
        %dma_start3A_529 = arith.constant 4 : i32
        %dma_start3A_530 = arith.constant 0 : i32
        %dma_start3A_531 = arith.constant 0 : i32
        %dma_start3A_532 = tpu.memref_slice %arg6[%dma_start3A_528, %dma_start3A_530, %dma_start3A_531] : memref<8x128x64xf32, #tpu.memory_space<vmem>> -> memref<1x128x64xf32, #tpu.memory_space<vmem>>
        %dma_start3A_533 = tpu.memref_squeeze %dma_start3A_532 : memref<1x128x64xf32, #tpu.memory_space<vmem>> -> memref<128x64xf32, #tpu.memory_space<vmem>>
        %dma_start3A_534 = arith.constant 0 : i32
        %dma_start3A_535 = tpu.memref_slice %arg4[%add3A_527, %dma_start3A_534] : memref<819200x64xf32, #tpu.memory_space<hbm>> -> memref<128x64xf32, #tpu.memory_space<hbm>>
        %dma_start3A_536 = tpu.memref_slice %arg8[%dma_start3A_529] : memref<8x!tpu.dma_semaphore, #tpu.memory_space<semaphore_mem>> -> memref<1x!tpu.dma_semaphore, #tpu.memory_space<semaphore_mem>>
        %dma_start3A_537 = tpu.memref_squeeze %dma_start3A_536 : memref<1x!tpu.dma_semaphore, #tpu.memory_space<semaphore_mem>> -> memref<!tpu.dma_semaphore, #tpu.memory_space<semaphore_mem>>
        %dma_start3A_538 = arith.constant 0 : i32
        %dma_start3A_539 = tpu.memref_slice %arg4[%add3A_527, %dma_start3A_538] : memref<819200x64xf32, #tpu.memory_space<hbm>> -> memref<128x64xf32, #tpu.memory_space<hbm>>
        %dma_start3A_540 = arith.constant 0 : i32
        %dma_start3A_541 = arith.constant 0 : i32
        %dma_start3A_542 = tpu.memref_slice %arg6[%dma_start3A_528, %dma_start3A_540, %dma_start3A_541] : memref<8x128x64xf32, #tpu.memory_space<vmem>> -> memref<1x128x64xf32, #tpu.memory_space<vmem>>
        %dma_start3A_543 = tpu.memref_squeeze %dma_start3A_542 : memref<1x128x64xf32, #tpu.memory_space<vmem>> -> memref<128x64xf32, #tpu.memory_space<vmem>>
        tpu.enqueue_dma source(%dma_start3A_543 : memref<128x64xf32, #tpu.memory_space<vmem>>) target(%dma_start3A_539 : memref<128x64xf32, #tpu.memory_space<hbm>>) target_semaphore(%dma_start3A_537 : memref<!tpu.dma_semaphore, #tpu.memory_space<semaphore_mem>>)
      } else {
      }
      %mul3A_301 = arith.constant 8 : i32
      %mul3A_302 = arith.muli %scan3A_274, %mul3A_301 : i32
      %add3A_303 = arith.constant 1 : i32
      %add3A_304 = arith.addi %mul3A_302, %add3A_303 : i32
      %ge3A_305 = arith.constant 8 : i32
      %ge3A_306 = arith.cmpi sge, %add3A_304, %ge3A_305 : i32
      %convert_element_type3A_307 = arith.extui %ge3A_306 : i1 to i32
      %cond3A_308 = arith.constant 0 : i32
      %cond3A_309 = arith.cmpi ne, %convert_element_type3A_307, %cond3A_308 : i32
      scf.if %cond3A_309 {
        %sub3A_511 = arith.constant 8 : i32
        %sub3A_512 = arith.subi %add3A_304, %sub3A_511 : i32
        %mul3A_513 = arith.constant 128 : i32
        %mul3A_514 = arith.muli %sub3A_512, %mul3A_513 : i32
        %add3A_515 = arith.addi %mul3A_2, %mul3A_514 : i32
        %dma_wait3A_516 = arith.constant 1 : i32
        %dma_wait3A_517 = arith.constant 1 : i32
        %dma_wait3A_518 = arith.constant 0 : i32
        %dma_wait3A_519 = arith.constant 0 : i32
        %dma_wait3A_520 = tpu.memref_slice %arg6[%dma_wait3A_516, %dma_wait3A_518, %dma_wait3A_519] : memref<8x128x64xf32, #tpu.memory_space<vmem>> -> memref<1x128x64xf32, #tpu.memory_space<vmem>>
        %dma_wait3A_521 = tpu.memref_squeeze %dma_wait3A_520 : memref<1x128x64xf32, #tpu.memory_space<vmem>> -> memref<128x64xf32, #tpu.memory_space<vmem>>
        %dma_wait3A_522 = arith.constant 0 : i32
        %dma_wait3A_523 = tpu.memref_slice %arg4[%add3A_515, %dma_wait3A_522] : memref<819200x64xf32, #tpu.memory_space<hbm>> -> memref<128x64xf32, #tpu.memory_space<hbm>>
        %dma_wait3A_524 = tpu.memref_slice %arg8[%dma_wait3A_517] : memref<8x!tpu.dma_semaphore, #tpu.memory_space<semaphore_mem>> -> memref<1x!tpu.dma_semaphore, #tpu.memory_space<semaphore_mem>>
        %dma_wait3A_525 = tpu.memref_squeeze %dma_wait3A_524 : memref<1x!tpu.dma_semaphore, #tpu.memory_space<semaphore_mem>> -> memref<!tpu.dma_semaphore, #tpu.memory_space<semaphore_mem>>
        %dma_wait3A_526 = arith.constant 0 : i32
        %dma_wait3A_527 = tpu.memref_slice %arg4[%add3A_515, %dma_wait3A_526] : memref<819200x64xf32, #tpu.memory_space<hbm>> -> memref<128x64xf32, #tpu.memory_space<hbm>>
        %dma_wait3A_528 = arith.constant 0 : i32
        %dma_wait3A_529 = arith.constant 0 : i32
        %dma_wait3A_530 = tpu.memref_slice %arg6[%dma_wait3A_516, %dma_wait3A_528, %dma_wait3A_529] : memref<8x128x64xf32, #tpu.memory_space<vmem>> -> memref<1x128x64xf32, #tpu.memory_space<vmem>>
        %dma_wait3A_531 = tpu.memref_squeeze %dma_wait3A_530 : memref<1x128x64xf32, #tpu.memory_space<vmem>> -> memref<128x64xf32, #tpu.memory_space<vmem>>
        tpu.wait_dma2 semaphore(%dma_wait3A_525 : memref<!tpu.dma_semaphore, #tpu.memory_space<semaphore_mem>>) src(%dma_wait3A_531 : memref<128x64xf32, #tpu.memory_space<vmem>>) dst(%dma_wait3A_527 : memref<128x64xf32, #tpu.memory_space<hbm>>)
      } else {
      }
      %mul3A_310 = arith.constant 128 : i32
      %mul3A_311 = arith.muli %add3A_304, %mul3A_310 : i32
      %dma_start3A_312 = arith.constant 1 : i32
      %dma_start3A_313 = arith.constant 1 : i32
      %dma_start3A_314 = arith.constant 0 : i32
      %dma_start3A_315 = arith.constant 0 : i32
      %dma_start3A_316 = tpu.memref_slice %arg6[%dma_start3A_312, %dma_start3A_314, %dma_start3A_315] : memref<8x128x64xf32, #tpu.memory_space<vmem>> -> memref<1x128x64xf32, #tpu.memory_space<vmem>>
      %dma_start3A_317 = tpu.memref_squeeze %dma_start3A_316 : memref<1x128x64xf32, #tpu.memory_space<vmem>> -> memref<128x64xf32, #tpu.memory_space<vmem>>
      %dma_start3A_318 = tpu.memref_slice %arg5[%mul3A_311] : memref<25600xi32, #tpu.memory_space<vmem>> -> memref<128xi32, #tpu.memory_space<vmem>>
      %dma_start3A_319 = arith.constant 0 : i32
      %dma_start3A_320 = arith.constant 0 : i32
      %dma_start3A_321 = tpu.memref_slice %arg2[%dma_start3A_319, %dma_start3A_320] : memref<1000000x64xf32, #tpu.memory_space<hbm>> -> memref<1000000x64xf32, #tpu.memory_space<hbm>>
      %dma_start3A_322 = tpu.memref_slice %arg7[%dma_start3A_313] : memref<8x!tpu.dma_semaphore, #tpu.memory_space<semaphore_mem>> -> memref<1x!tpu.dma_semaphore, #tpu.memory_space<semaphore_mem>>
      %dma_start3A_323 = tpu.memref_squeeze %dma_start3A_322 : memref<1x!tpu.dma_semaphore, #tpu.memory_space<semaphore_mem>> -> memref<!tpu.dma_semaphore, #tpu.memory_space<semaphore_mem>>
      tpu.enqueue_indirect_dma source(%dma_start3A_321 : memref<1000000x64xf32, #tpu.memory_space<hbm>>) target(%dma_start3A_317 : memref<128x64xf32, #tpu.memory_space<vmem>>) offsets(%dma_start3A_318 : memref<128xi32, #tpu.memory_space<vmem>>) semaphore(%dma_start3A_323 : memref<!tpu.dma_semaphore, #tpu.memory_space<semaphore_mem>>)
      %sub3A_324 = arith.constant 4 : i32
      %sub3A_325 = arith.subi %add3A_304, %sub3A_324 : i32
      %ge3A_326 = arith.constant 0 : i32
      %ge3A_327 = arith.cmpi sge, %sub3A_325, %ge3A_326 : i32
      %convert_element_type3A_328 = arith.extui %ge3A_327 : i1 to i32
      %cond3A_329 = arith.constant 0 : i32
      %cond3A_330 = arith.cmpi ne, %convert_element_type3A_328, %cond3A_329 : i32
      scf.if %cond3A_330 {
        %mul3A_511 = arith.constant 128 : i32
        %mul3A_512 = arith.muli %sub3A_325, %mul3A_511 : i32
        %dma_wait3A_513 = arith.constant 5 : i32
        %dma_wait3A_514 = arith.constant 5 : i32
        %dma_wait3A_515 = arith.constant 0 : i32
        %dma_wait3A_516 = arith.constant 0 : i32
        %dma_wait3A_517 = tpu.memref_slice %arg6[%dma_wait3A_513, %dma_wait3A_515, %dma_wait3A_516] : memref<8x128x64xf32, #tpu.memory_space<vmem>> -> memref<1x128x64xf32, #tpu.memory_space<vmem>>
        %dma_wait3A_518 = tpu.memref_squeeze %dma_wait3A_517 : memref<1x128x64xf32, #tpu.memory_space<vmem>> -> memref<128x64xf32, #tpu.memory_space<vmem>>
        %dma_wait3A_519 = tpu.memref_slice %arg5[%mul3A_512] : memref<25600xi32, #tpu.memory_space<vmem>> -> memref<128xi32, #tpu.memory_space<vmem>>
        %dma_wait3A_520 = arith.constant 0 : i32
        %dma_wait3A_521 = arith.constant 0 : i32
        %dma_wait3A_522 = tpu.memref_slice %arg2[%dma_wait3A_520, %dma_wait3A_521] : memref<1000000x64xf32, #tpu.memory_space<hbm>> -> memref<1000000x64xf32, #tpu.memory_space<hbm>>
        %dma_wait3A_523 = tpu.memref_slice %arg7[%dma_wait3A_514] : memref<8x!tpu.dma_semaphore, #tpu.memory_space<semaphore_mem>> -> memref<1x!tpu.dma_semaphore, #tpu.memory_space<semaphore_mem>>
        %dma_wait3A_524 = tpu.memref_squeeze %dma_wait3A_523 : memref<1x!tpu.dma_semaphore, #tpu.memory_space<semaphore_mem>> -> memref<!tpu.dma_semaphore, #tpu.memory_space<semaphore_mem>>
        tpu.wait_indirect_dma semaphore(%dma_wait3A_524 : memref<!tpu.dma_semaphore, #tpu.memory_space<semaphore_mem>>) src(%dma_wait3A_522 : memref<1000000x64xf32, #tpu.memory_space<hbm>>) dst(%dma_wait3A_518 : memref<128x64xf32, #tpu.memory_space<vmem>>)
        %mul3A_525 = arith.constant 128 : i32
        %mul3A_526 = arith.muli %sub3A_325, %mul3A_525 : i32
        %add3A_527 = arith.addi %mul3A_2, %mul3A_526 : i32
        %dma_start3A_528 = arith.constant 5 : i32
        %dma_start3A_529 = arith.constant 5 : i32
        %dma_start3A_530 = arith.constant 0 : i32
        %dma_start3A_531 = arith.constant 0 : i32
        %dma_start3A_532 = tpu.memref_slice %arg6[%dma_start3A_528, %dma_start3A_530, %dma_start3A_531] : memref<8x128x64xf32, #tpu.memory_space<vmem>> -> memref<1x128x64xf32, #tpu.memory_space<vmem>>
        %dma_start3A_533 = tpu.memref_squeeze %dma_start3A_532 : memref<1x128x64xf32, #tpu.memory_space<vmem>> -> memref<128x64xf32, #tpu.memory_space<vmem>>
        %dma_start3A_534 = arith.constant 0 : i32
        %dma_start3A_535 = tpu.memref_slice %arg4[%add3A_527, %dma_start3A_534] : memref<819200x64xf32, #tpu.memory_space<hbm>> -> memref<128x64xf32, #tpu.memory_space<hbm>>
        %dma_start3A_536 = tpu.memref_slice %arg8[%dma_start3A_529] : memref<8x!tpu.dma_semaphore, #tpu.memory_space<semaphore_mem>> -> memref<1x!tpu.dma_semaphore, #tpu.memory_space<semaphore_mem>>
        %dma_start3A_537 = tpu.memref_squeeze %dma_start3A_536 : memref<1x!tpu.dma_semaphore, #tpu.memory_space<semaphore_mem>> -> memref<!tpu.dma_semaphore, #tpu.memory_space<semaphore_mem>>
        %dma_start3A_538 = arith.constant 0 : i32
        %dma_start3A_539 = tpu.memref_slice %arg4[%add3A_527, %dma_start3A_538] : memref<819200x64xf32, #tpu.memory_space<hbm>> -> memref<128x64xf32, #tpu.memory_space<hbm>>
        %dma_start3A_540 = arith.constant 0 : i32
        %dma_start3A_541 = arith.constant 0 : i32
        %dma_start3A_542 = tpu.memref_slice %arg6[%dma_start3A_528, %dma_start3A_540, %dma_start3A_541] : memref<8x128x64xf32, #tpu.memory_space<vmem>> -> memref<1x128x64xf32, #tpu.memory_space<vmem>>
        %dma_start3A_543 = tpu.memref_squeeze %dma_start3A_542 : memref<1x128x64xf32, #tpu.memory_space<vmem>> -> memref<128x64xf32, #tpu.memory_space<vmem>>
        tpu.enqueue_dma source(%dma_start3A_543 : memref<128x64xf32, #tpu.memory_space<vmem>>) target(%dma_start3A_539 : memref<128x64xf32, #tpu.memory_space<hbm>>) target_semaphore(%dma_start3A_537 : memref<!tpu.dma_semaphore, #tpu.memory_space<semaphore_mem>>)
      } else {
      }
      %mul3A_331 = arith.constant 8 : i32
      %mul3A_332 = arith.muli %scan3A_274, %mul3A_331 : i32
      %add3A_333 = arith.constant 2 : i32
      %add3A_334 = arith.addi %mul3A_332, %add3A_333 : i32
      %ge3A_335 = arith.constant 8 : i32
      %ge3A_336 = arith.cmpi sge, %add3A_334, %ge3A_335 : i32
      %convert_element_type3A_337 = arith.extui %ge3A_336 : i1 to i32
      %cond3A_338 = arith.constant 0 : i32
      %cond3A_339 = arith.cmpi ne, %convert_element_type3A_337, %cond3A_338 : i32
      scf.if %cond3A_339 {
        %sub3A_511 = arith.constant 8 : i32
        %sub3A_512 = arith.subi %add3A_334, %sub3A_511 : i32
        %mul3A_513 = arith.constant 128 : i32
        %mul3A_514 = arith.muli %sub3A_512, %mul3A_513 : i32
        %add3A_515 = arith.addi %mul3A_2, %mul3A_514 : i32
        %dma_wait3A_516 = arith.constant 2 : i32
        %dma_wait3A_517 = arith.constant 2 : i32
        %dma_wait3A_518 = arith.constant 0 : i32
        %dma_wait3A_519 = arith.constant 0 : i32
        %dma_wait3A_520 = tpu.memref_slice %arg6[%dma_wait3A_516, %dma_wait3A_518, %dma_wait3A_519] : memref<8x128x64xf32, #tpu.memory_space<vmem>> -> memref<1x128x64xf32, #tpu.memory_space<vmem>>
        %dma_wait3A_521 = tpu.memref_squeeze %dma_wait3A_520 : memref<1x128x64xf32, #tpu.memory_space<vmem>> -> memref<128x64xf32, #tpu.memory_space<vmem>>
        %dma_wait3A_522 = arith.constant 0 : i32
        %dma_wait3A_523 = tpu.memref_slice %arg4[%add3A_515, %dma_wait3A_522] : memref<819200x64xf32, #tpu.memory_space<hbm>> -> memref<128x64xf32, #tpu.memory_space<hbm>>
        %dma_wait3A_524 = tpu.memref_slice %arg8[%dma_wait3A_517] : memref<8x!tpu.dma_semaphore, #tpu.memory_space<semaphore_mem>> -> memref<1x!tpu.dma_semaphore, #tpu.memory_space<semaphore_mem>>
        %dma_wait3A_525 = tpu.memref_squeeze %dma_wait3A_524 : memref<1x!tpu.dma_semaphore, #tpu.memory_space<semaphore_mem>> -> memref<!tpu.dma_semaphore, #tpu.memory_space<semaphore_mem>>
        %dma_wait3A_526 = arith.constant 0 : i32
        %dma_wait3A_527 = tpu.memref_slice %arg4[%add3A_515, %dma_wait3A_526] : memref<819200x64xf32, #tpu.memory_space<hbm>> -> memref<128x64xf32, #tpu.memory_space<hbm>>
        %dma_wait3A_528 = arith.constant 0 : i32
        %dma_wait3A_529 = arith.constant 0 : i32
        %dma_wait3A_530 = tpu.memref_slice %arg6[%dma_wait3A_516, %dma_wait3A_528, %dma_wait3A_529] : memref<8x128x64xf32, #tpu.memory_space<vmem>> -> memref<1x128x64xf32, #tpu.memory_space<vmem>>
        %dma_wait3A_531 = tpu.memref_squeeze %dma_wait3A_530 : memref<1x128x64xf32, #tpu.memory_space<vmem>> -> memref<128x64xf32, #tpu.memory_space<vmem>>
        tpu.wait_dma2 semaphore(%dma_wait3A_525 : memref<!tpu.dma_semaphore, #tpu.memory_space<semaphore_mem>>) src(%dma_wait3A_531 : memref<128x64xf32, #tpu.memory_space<vmem>>) dst(%dma_wait3A_527 : memref<128x64xf32, #tpu.memory_space<hbm>>)
      } else {
      }
      %mul3A_340 = arith.constant 128 : i32
      %mul3A_341 = arith.muli %add3A_334, %mul3A_340 : i32
      %dma_start3A_342 = arith.constant 2 : i32
      %dma_start3A_343 = arith.constant 2 : i32
      %dma_start3A_344 = arith.constant 0 : i32
      %dma_start3A_345 = arith.constant 0 : i32
      %dma_start3A_346 = tpu.memref_slice %arg6[%dma_start3A_342, %dma_start3A_344, %dma_start3A_345] : memref<8x128x64xf32, #tpu.memory_space<vmem>> -> memref<1x128x64xf32, #tpu.memory_space<vmem>>
      %dma_start3A_347 = tpu.memref_squeeze %dma_start3A_346 : memref<1x128x64xf32, #tpu.memory_space<vmem>> -> memref<128x64xf32, #tpu.memory_space<vmem>>
      %dma_start3A_348 = tpu.memref_slice %arg5[%mul3A_341] : memref<25600xi32, #tpu.memory_space<vmem>> -> memref<128xi32, #tpu.memory_space<vmem>>
      %dma_start3A_349 = arith.constant 0 : i32
      %dma_start3A_350 = arith.constant 0 : i32
      %dma_start3A_351 = tpu.memref_slice %arg2[%dma_start3A_349, %dma_start3A_350] : memref<1000000x64xf32, #tpu.memory_space<hbm>> -> memref<1000000x64xf32, #tpu.memory_space<hbm>>
      %dma_start3A_352 = tpu.memref_slice %arg7[%dma_start3A_343] : memref<8x!tpu.dma_semaphore, #tpu.memory_space<semaphore_mem>> -> memref<1x!tpu.dma_semaphore, #tpu.memory_space<semaphore_mem>>
      %dma_start3A_353 = tpu.memref_squeeze %dma_start3A_352 : memref<1x!tpu.dma_semaphore, #tpu.memory_space<semaphore_mem>> -> memref<!tpu.dma_semaphore, #tpu.memory_space<semaphore_mem>>
      tpu.enqueue_indirect_dma source(%dma_start3A_351 : memref<1000000x64xf32, #tpu.memory_space<hbm>>) target(%dma_start3A_347 : memref<128x64xf32, #tpu.memory_space<vmem>>) offsets(%dma_start3A_348 : memref<128xi32, #tpu.memory_space<vmem>>) semaphore(%dma_start3A_353 : memref<!tpu.dma_semaphore, #tpu.memory_space<semaphore_mem>>)
      %sub3A_354 = arith.constant 4 : i32
      %sub3A_355 = arith.subi %add3A_334, %sub3A_354 : i32
      %ge3A_356 = arith.constant 0 : i32
      %ge3A_357 = arith.cmpi sge, %sub3A_355, %ge3A_356 : i32
      %convert_element_type3A_358 = arith.extui %ge3A_357 : i1 to i32
      %cond3A_359 = arith.constant 0 : i32
      %cond3A_360 = arith.cmpi ne, %convert_element_type3A_358, %cond3A_359 : i32
      scf.if %cond3A_360 {
        %mul3A_511 = arith.constant 128 : i32
        %mul3A_512 = arith.muli %sub3A_355, %mul3A_511 : i32
        %dma_wait3A_513 = arith.constant 6 : i32
        %dma_wait3A_514 = arith.constant 6 : i32
        %dma_wait3A_515 = arith.constant 0 : i32
        %dma_wait3A_516 = arith.constant 0 : i32
        %dma_wait3A_517 = tpu.memref_slice %arg6[%dma_wait3A_513, %dma_wait3A_515, %dma_wait3A_516] : memref<8x128x64xf32, #tpu.memory_space<vmem>> -> memref<1x128x64xf32, #tpu.memory_space<vmem>>
        %dma_wait3A_518 = tpu.memref_squeeze %dma_wait3A_517 : memref<1x128x64xf32, #tpu.memory_space<vmem>> -> memref<128x64xf32, #tpu.memory_space<vmem>>
        %dma_wait3A_519 = tpu.memref_slice %arg5[%mul3A_512] : memref<25600xi32, #tpu.memory_space<vmem>> -> memref<128xi32, #tpu.memory_space<vmem>>
        %dma_wait3A_520 = arith.constant 0 : i32
        %dma_wait3A_521 = arith.constant 0 : i32
        %dma_wait3A_522 = tpu.memref_slice %arg2[%dma_wait3A_520, %dma_wait3A_521] : memref<1000000x64xf32, #tpu.memory_space<hbm>> -> memref<1000000x64xf32, #tpu.memory_space<hbm>>
        %dma_wait3A_523 = tpu.memref_slice %arg7[%dma_wait3A_514] : memref<8x!tpu.dma_semaphore, #tpu.memory_space<semaphore_mem>> -> memref<1x!tpu.dma_semaphore, #tpu.memory_space<semaphore_mem>>
        %dma_wait3A_524 = tpu.memref_squeeze %dma_wait3A_523 : memref<1x!tpu.dma_semaphore, #tpu.memory_space<semaphore_mem>> -> memref<!tpu.dma_semaphore, #tpu.memory_space<semaphore_mem>>
        tpu.wait_indirect_dma semaphore(%dma_wait3A_524 : memref<!tpu.dma_semaphore, #tpu.memory_space<semaphore_mem>>) src(%dma_wait3A_522 : memref<1000000x64xf32, #tpu.memory_space<hbm>>) dst(%dma_wait3A_518 : memref<128x64xf32, #tpu.memory_space<vmem>>)
        %mul3A_525 = arith.constant 128 : i32
        %mul3A_526 = arith.muli %sub3A_355, %mul3A_525 : i32
        %add3A_527 = arith.addi %mul3A_2, %mul3A_526 : i32
        %dma_start3A_528 = arith.constant 6 : i32
        %dma_start3A_529 = arith.constant 6 : i32
        %dma_start3A_530 = arith.constant 0 : i32
        %dma_start3A_531 = arith.constant 0 : i32
        %dma_start3A_532 = tpu.memref_slice %arg6[%dma_start3A_528, %dma_start3A_530, %dma_start3A_531] : memref<8x128x64xf32, #tpu.memory_space<vmem>> -> memref<1x128x64xf32, #tpu.memory_space<vmem>>
        %dma_start3A_533 = tpu.memref_squeeze %dma_start3A_532 : memref<1x128x64xf32, #tpu.memory_space<vmem>> -> memref<128x64xf32, #tpu.memory_space<vmem>>
        %dma_start3A_534 = arith.constant 0 : i32
        %dma_start3A_535 = tpu.memref_slice %arg4[%add3A_527, %dma_start3A_534] : memref<819200x64xf32, #tpu.memory_space<hbm>> -> memref<128x64xf32, #tpu.memory_space<hbm>>
        %dma_start3A_536 = tpu.memref_slice %arg8[%dma_start3A_529] : memref<8x!tpu.dma_semaphore, #tpu.memory_space<semaphore_mem>> -> memref<1x!tpu.dma_semaphore, #tpu.memory_space<semaphore_mem>>
        %dma_start3A_537 = tpu.memref_squeeze %dma_start3A_536 : memref<1x!tpu.dma_semaphore, #tpu.memory_space<semaphore_mem>> -> memref<!tpu.dma_semaphore, #tpu.memory_space<semaphore_mem>>
        %dma_start3A_538 = arith.constant 0 : i32
        %dma_start3A_539 = tpu.memref_slice %arg4[%add3A_527, %dma_start3A_538] : memref<819200x64xf32, #tpu.memory_space<hbm>> -> memref<128x64xf32, #tpu.memory_space<hbm>>
        %dma_start3A_540 = arith.constant 0 : i32
        %dma_start3A_541 = arith.constant 0 : i32
        %dma_start3A_542 = tpu.memref_slice %arg6[%dma_start3A_528, %dma_start3A_540, %dma_start3A_541] : memref<8x128x64xf32, #tpu.memory_space<vmem>> -> memref<1x128x64xf32, #tpu.memory_space<vmem>>
        %dma_start3A_543 = tpu.memref_squeeze %dma_start3A_542 : memref<1x128x64xf32, #tpu.memory_space<vmem>> -> memref<128x64xf32, #tpu.memory_space<vmem>>
        tpu.enqueue_dma source(%dma_start3A_543 : memref<128x64xf32, #tpu.memory_space<vmem>>) target(%dma_start3A_539 : memref<128x64xf32, #tpu.memory_space<hbm>>) target_semaphore(%dma_start3A_537 : memref<!tpu.dma_semaphore, #tpu.memory_space<semaphore_mem>>)
      } else {
      }
      %mul3A_361 = arith.constant 8 : i32
      %mul3A_362 = arith.muli %scan3A_274, %mul3A_361 : i32
      %add3A_363 = arith.constant 3 : i32
      %add3A_364 = arith.addi %mul3A_362, %add3A_363 : i32
      %ge3A_365 = arith.constant 8 : i32
      %ge3A_366 = arith.cmpi sge, %add3A_364, %ge3A_365 : i32
      %convert_element_type3A_367 = arith.extui %ge3A_366 : i1 to i32
      %cond3A_368 = arith.constant 0 : i32
      %cond3A_369 = arith.cmpi ne, %convert_element_type3A_367, %cond3A_368 : i32
      scf.if %cond3A_369 {
        %sub3A_511 = arith.constant 8 : i32
        %sub3A_512 = arith.subi %add3A_364, %sub3A_511 : i32
        %mul3A_513 = arith.constant 128 : i32
        %mul3A_514 = arith.muli %sub3A_512, %mul3A_513 : i32
        %add3A_515 = arith.addi %mul3A_2, %mul3A_514 : i32
        %dma_wait3A_516 = arith.constant 3 : i32
        %dma_wait3A_517 = arith.constant 3 : i32
        %dma_wait3A_518 = arith.constant 0 : i32
        %dma_wait3A_519 = arith.constant 0 : i32
        %dma_wait3A_520 = tpu.memref_slice %arg6[%dma_wait3A_516, %dma_wait3A_518, %dma_wait3A_519] : memref<8x128x64xf32, #tpu.memory_space<vmem>> -> memref<1x128x64xf32, #tpu.memory_space<vmem>>
        %dma_wait3A_521 = tpu.memref_squeeze %dma_wait3A_520 : memref<1x128x64xf32, #tpu.memory_space<vmem>> -> memref<128x64xf32, #tpu.memory_space<vmem>>
        %dma_wait3A_522 = arith.constant 0 : i32
        %dma_wait3A_523 = tpu.memref_slice %arg4[%add3A_515, %dma_wait3A_522] : memref<819200x64xf32, #tpu.memory_space<hbm>> -> memref<128x64xf32, #tpu.memory_space<hbm>>
        %dma_wait3A_524 = tpu.memref_slice %arg8[%dma_wait3A_517] : memref<8x!tpu.dma_semaphore, #tpu.memory_space<semaphore_mem>> -> memref<1x!tpu.dma_semaphore, #tpu.memory_space<semaphore_mem>>
        %dma_wait3A_525 = tpu.memref_squeeze %dma_wait3A_524 : memref<1x!tpu.dma_semaphore, #tpu.memory_space<semaphore_mem>> -> memref<!tpu.dma_semaphore, #tpu.memory_space<semaphore_mem>>
        %dma_wait3A_526 = arith.constant 0 : i32
        %dma_wait3A_527 = tpu.memref_slice %arg4[%add3A_515, %dma_wait3A_526] : memref<819200x64xf32, #tpu.memory_space<hbm>> -> memref<128x64xf32, #tpu.memory_space<hbm>>
        %dma_wait3A_528 = arith.constant 0 : i32
        %dma_wait3A_529 = arith.constant 0 : i32
        %dma_wait3A_530 = tpu.memref_slice %arg6[%dma_wait3A_516, %dma_wait3A_528, %dma_wait3A_529] : memref<8x128x64xf32, #tpu.memory_space<vmem>> -> memref<1x128x64xf32, #tpu.memory_space<vmem>>
        %dma_wait3A_531 = tpu.memref_squeeze %dma_wait3A_530 : memref<1x128x64xf32, #tpu.memory_space<vmem>> -> memref<128x64xf32, #tpu.memory_space<vmem>>
        tpu.wait_dma2 semaphore(%dma_wait3A_525 : memref<!tpu.dma_semaphore, #tpu.memory_space<semaphore_mem>>) src(%dma_wait3A_531 : memref<128x64xf32, #tpu.memory_space<vmem>>) dst(%dma_wait3A_527 : memref<128x64xf32, #tpu.memory_space<hbm>>)
      } else {
      }
      %mul3A_370 = arith.constant 128 : i32
      %mul3A_371 = arith.muli %add3A_364, %mul3A_370 : i32
      %dma_start3A_372 = arith.constant 3 : i32
      %dma_start3A_373 = arith.constant 3 : i32
      %dma_start3A_374 = arith.constant 0 : i32
      %dma_start3A_375 = arith.constant 0 : i32
      %dma_start3A_376 = tpu.memref_slice %arg6[%dma_start3A_372, %dma_start3A_374, %dma_start3A_375] : memref<8x128x64xf32, #tpu.memory_space<vmem>> -> memref<1x128x64xf32, #tpu.memory_space<vmem>>
      %dma_start3A_377 = tpu.memref_squeeze %dma_start3A_376 : memref<1x128x64xf32, #tpu.memory_space<vmem>> -> memref<128x64xf32, #tpu.memory_space<vmem>>
      %dma_start3A_378 = tpu.memref_slice %arg5[%mul3A_371] : memref<25600xi32, #tpu.memory_space<vmem>> -> memref<128xi32, #tpu.memory_space<vmem>>
      %dma_start3A_379 = arith.constant 0 : i32
      %dma_start3A_380 = arith.constant 0 : i32
      %dma_start3A_381 = tpu.memref_slice %arg2[%dma_start3A_379, %dma_start3A_380] : memref<1000000x64xf32, #tpu.memory_space<hbm>> -> memref<1000000x64xf32, #tpu.memory_space<hbm>>
      %dma_start3A_382 = tpu.memref_slice %arg7[%dma_start3A_373] : memref<8x!tpu.dma_semaphore, #tpu.memory_space<semaphore_mem>> -> memref<1x!tpu.dma_semaphore, #tpu.memory_space<semaphore_mem>>
      %dma_start3A_383 = tpu.memref_squeeze %dma_start3A_382 : memref<1x!tpu.dma_semaphore, #tpu.memory_space<semaphore_mem>> -> memref<!tpu.dma_semaphore, #tpu.memory_space<semaphore_mem>>
      tpu.enqueue_indirect_dma source(%dma_start3A_381 : memref<1000000x64xf32, #tpu.memory_space<hbm>>) target(%dma_start3A_377 : memref<128x64xf32, #tpu.memory_space<vmem>>) offsets(%dma_start3A_378 : memref<128xi32, #tpu.memory_space<vmem>>) semaphore(%dma_start3A_383 : memref<!tpu.dma_semaphore, #tpu.memory_space<semaphore_mem>>)
      %sub3A_384 = arith.constant 4 : i32
      %sub3A_385 = arith.subi %add3A_364, %sub3A_384 : i32
      %ge3A_386 = arith.constant 0 : i32
      %ge3A_387 = arith.cmpi sge, %sub3A_385, %ge3A_386 : i32
      %convert_element_type3A_388 = arith.extui %ge3A_387 : i1 to i32
      %cond3A_389 = arith.constant 0 : i32
      %cond3A_390 = arith.cmpi ne, %convert_element_type3A_388, %cond3A_389 : i32
      scf.if %cond3A_390 {
        %mul3A_511 = arith.constant 128 : i32
        %mul3A_512 = arith.muli %sub3A_385, %mul3A_511 : i32
        %dma_wait3A_513 = arith.constant 7 : i32
        %dma_wait3A_514 = arith.constant 7 : i32
        %dma_wait3A_515 = arith.constant 0 : i32
        %dma_wait3A_516 = arith.constant 0 : i32
        %dma_wait3A_517 = tpu.memref_slice %arg6[%dma_wait3A_513, %dma_wait3A_515, %dma_wait3A_516] : memref<8x128x64xf32, #tpu.memory_space<vmem>> -> memref<1x128x64xf32, #tpu.memory_space<vmem>>
        %dma_wait3A_518 = tpu.memref_squeeze %dma_wait3A_517 : memref<1x128x64xf32, #tpu.memory_space<vmem>> -> memref<128x64xf32, #tpu.memory_space<vmem>>
        %dma_wait3A_519 = tpu.memref_slice %arg5[%mul3A_512] : memref<25600xi32, #tpu.memory_space<vmem>> -> memref<128xi32, #tpu.memory_space<vmem>>
        %dma_wait3A_520 = arith.constant 0 : i32
        %dma_wait3A_521 = arith.constant 0 : i32
        %dma_wait3A_522 = tpu.memref_slice %arg2[%dma_wait3A_520, %dma_wait3A_521] : memref<1000000x64xf32, #tpu.memory_space<hbm>> -> memref<1000000x64xf32, #tpu.memory_space<hbm>>
        %dma_wait3A_523 = tpu.memref_slice %arg7[%dma_wait3A_514] : memref<8x!tpu.dma_semaphore, #tpu.memory_space<semaphore_mem>> -> memref<1x!tpu.dma_semaphore, #tpu.memory_space<semaphore_mem>>
        %dma_wait3A_524 = tpu.memref_squeeze %dma_wait3A_523 : memref<1x!tpu.dma_semaphore, #tpu.memory_space<semaphore_mem>> -> memref<!tpu.dma_semaphore, #tpu.memory_space<semaphore_mem>>
        tpu.wait_indirect_dma semaphore(%dma_wait3A_524 : memref<!tpu.dma_semaphore, #tpu.memory_space<semaphore_mem>>) src(%dma_wait3A_522 : memref<1000000x64xf32, #tpu.memory_space<hbm>>) dst(%dma_wait3A_518 : memref<128x64xf32, #tpu.memory_space<vmem>>)
        %mul3A_525 = arith.constant 128 : i32
        %mul3A_526 = arith.muli %sub3A_385, %mul3A_525 : i32
        %add3A_527 = arith.addi %mul3A_2, %mul3A_526 : i32
        %dma_start3A_528 = arith.constant 7 : i32
        %dma_start3A_529 = arith.constant 7 : i32
        %dma_start3A_530 = arith.constant 0 : i32
        %dma_start3A_531 = arith.constant 0 : i32
        %dma_start3A_532 = tpu.memref_slice %arg6[%dma_start3A_528, %dma_start3A_530, %dma_start3A_531] : memref<8x128x64xf32, #tpu.memory_space<vmem>> -> memref<1x128x64xf32, #tpu.memory_space<vmem>>
        %dma_start3A_533 = tpu.memref_squeeze %dma_start3A_532 : memref<1x128x64xf32, #tpu.memory_space<vmem>> -> memref<128x64xf32, #tpu.memory_space<vmem>>
        %dma_start3A_534 = arith.constant 0 : i32
        %dma_start3A_535 = tpu.memref_slice %arg4[%add3A_527, %dma_start3A_534] : memref<819200x64xf32, #tpu.memory_space<hbm>> -> memref<128x64xf32, #tpu.memory_space<hbm>>
        %dma_start3A_536 = tpu.memref_slice %arg8[%dma_start3A_529] : memref<8x!tpu.dma_semaphore, #tpu.memory_space<semaphore_mem>> -> memref<1x!tpu.dma_semaphore, #tpu.memory_space<semaphore_mem>>
        %dma_start3A_537 = tpu.memref_squeeze %dma_start3A_536 : memref<1x!tpu.dma_semaphore, #tpu.memory_space<semaphore_mem>> -> memref<!tpu.dma_semaphore, #tpu.memory_space<semaphore_mem>>
        %dma_start3A_538 = arith.constant 0 : i32
        %dma_start3A_539 = tpu.memref_slice %arg4[%add3A_527, %dma_start3A_538] : memref<819200x64xf32, #tpu.memory_space<hbm>> -> memref<128x64xf32, #tpu.memory_space<hbm>>
        %dma_start3A_540 = arith.constant 0 : i32
        %dma_start3A_541 = arith.constant 0 : i32
        %dma_start3A_542 = tpu.memref_slice %arg6[%dma_start3A_528, %dma_start3A_540, %dma_start3A_541] : memref<8x128x64xf32, #tpu.memory_space<vmem>> -> memref<1x128x64xf32, #tpu.memory_space<vmem>>
        %dma_start3A_543 = tpu.memref_squeeze %dma_start3A_542 : memref<1x128x64xf32, #tpu.memory_space<vmem>> -> memref<128x64xf32, #tpu.memory_space<vmem>>
        tpu.enqueue_dma source(%dma_start3A_543 : memref<128x64xf32, #tpu.memory_space<vmem>>) target(%dma_start3A_539 : memref<128x64xf32, #tpu.memory_space<hbm>>) target_semaphore(%dma_start3A_537 : memref<!tpu.dma_semaphore, #tpu.memory_space<semaphore_mem>>)
      } else {
      }
      %mul3A_391 = arith.constant 8 : i32
      %mul3A_392 = arith.muli %scan3A_274, %mul3A_391 : i32
      %add3A_393 = arith.constant 4 : i32
      %add3A_394 = arith.addi %mul3A_392, %add3A_393 : i32
      %ge3A_395 = arith.constant 8 : i32
      %ge3A_396 = arith.cmpi sge, %add3A_394, %ge3A_395 : i32
      %convert_element_type3A_397 = arith.extui %ge3A_396 : i1 to i32
      %cond3A_398 = arith.constant 0 : i32
      %cond3A_399 = arith.cmpi ne, %convert_element_type3A_397, %cond3A_398 : i32
      scf.if %cond3A_399 {
        %sub3A_511 = arith.constant 8 : i32
        %sub3A_512 = arith.subi %add3A_394, %sub3A_511 : i32
        %mul3A_513 = arith.constant 128 : i32
        %mul3A_514 = arith.muli %sub3A_512, %mul3A_513 : i32
        %add3A_515 = arith.addi %mul3A_2, %mul3A_514 : i32
        %dma_wait3A_516 = arith.constant 4 : i32
        %dma_wait3A_517 = arith.constant 4 : i32
        %dma_wait3A_518 = arith.constant 0 : i32
        %dma_wait3A_519 = arith.constant 0 : i32
        %dma_wait3A_520 = tpu.memref_slice %arg6[%dma_wait3A_516, %dma_wait3A_518, %dma_wait3A_519] : memref<8x128x64xf32, #tpu.memory_space<vmem>> -> memref<1x128x64xf32, #tpu.memory_space<vmem>>
        %dma_wait3A_521 = tpu.memref_squeeze %dma_wait3A_520 : memref<1x128x64xf32, #tpu.memory_space<vmem>> -> memref<128x64xf32, #tpu.memory_space<vmem>>
        %dma_wait3A_522 = arith.constant 0 : i32
        %dma_wait3A_523 = tpu.memref_slice %arg4[%add3A_515, %dma_wait3A_522] : memref<819200x64xf32, #tpu.memory_space<hbm>> -> memref<128x64xf32, #tpu.memory_space<hbm>>
        %dma_wait3A_524 = tpu.memref_slice %arg8[%dma_wait3A_517] : memref<8x!tpu.dma_semaphore, #tpu.memory_space<semaphore_mem>> -> memref<1x!tpu.dma_semaphore, #tpu.memory_space<semaphore_mem>>
        %dma_wait3A_525 = tpu.memref_squeeze %dma_wait3A_524 : memref<1x!tpu.dma_semaphore, #tpu.memory_space<semaphore_mem>> -> memref<!tpu.dma_semaphore, #tpu.memory_space<semaphore_mem>>
        %dma_wait3A_526 = arith.constant 0 : i32
        %dma_wait3A_527 = tpu.memref_slice %arg4[%add3A_515, %dma_wait3A_526] : memref<819200x64xf32, #tpu.memory_space<hbm>> -> memref<128x64xf32, #tpu.memory_space<hbm>>
        %dma_wait3A_528 = arith.constant 0 : i32
        %dma_wait3A_529 = arith.constant 0 : i32
        %dma_wait3A_530 = tpu.memref_slice %arg6[%dma_wait3A_516, %dma_wait3A_528, %dma_wait3A_529] : memref<8x128x64xf32, #tpu.memory_space<vmem>> -> memref<1x128x64xf32, #tpu.memory_space<vmem>>
        %dma_wait3A_531 = tpu.memref_squeeze %dma_wait3A_530 : memref<1x128x64xf32, #tpu.memory_space<vmem>> -> memref<128x64xf32, #tpu.memory_space<vmem>>
        tpu.wait_dma2 semaphore(%dma_wait3A_525 : memref<!tpu.dma_semaphore, #tpu.memory_space<semaphore_mem>>) src(%dma_wait3A_531 : memref<128x64xf32, #tpu.memory_space<vmem>>) dst(%dma_wait3A_527 : memref<128x64xf32, #tpu.memory_space<hbm>>)
      } else {
      }
      %mul3A_400 = arith.constant 128 : i32
      %mul3A_401 = arith.muli %add3A_394, %mul3A_400 : i32
      %dma_start3A_402 = arith.constant 4 : i32
      %dma_start3A_403 = arith.constant 4 : i32
      %dma_start3A_404 = arith.constant 0 : i32
      %dma_start3A_405 = arith.constant 0 : i32
      %dma_start3A_406 = tpu.memref_slice %arg6[%dma_start3A_402, %dma_start3A_404, %dma_start3A_405] : memref<8x128x64xf32, #tpu.memory_space<vmem>> -> memref<1x128x64xf32, #tpu.memory_space<vmem>>
      %dma_start3A_407 = tpu.memref_squeeze %dma_start3A_406 : memref<1x128x64xf32, #tpu.memory_space<vmem>> -> memref<128x64xf32, #tpu.memory_space<vmem>>
      %dma_start3A_408 = tpu.memref_slice %arg5[%mul3A_401] : memref<25600xi32, #tpu.memory_space<vmem>> -> memref<128xi32, #tpu.memory_space<vmem>>
      %dma_start3A_409 = arith.constant 0 : i32
      %dma_start3A_410 = arith.constant 0 : i32
      %dma_start3A_411 = tpu.memref_slice %arg2[%dma_start3A_409, %dma_start3A_410] : memref<1000000x64xf32, #tpu.memory_space<hbm>> -> memref<1000000x64xf32, #tpu.memory_space<hbm>>
      %dma_start3A_412 = tpu.memref_slice %arg7[%dma_start3A_403] : memref<8x!tpu.dma_semaphore, #tpu.memory_space<semaphore_mem>> -> memref<1x!tpu.dma_semaphore, #tpu.memory_space<semaphore_mem>>
      %dma_start3A_413 = tpu.memref_squeeze %dma_start3A_412 : memref<1x!tpu.dma_semaphore, #tpu.memory_space<semaphore_mem>> -> memref<!tpu.dma_semaphore, #tpu.memory_space<semaphore_mem>>
      tpu.enqueue_indirect_dma source(%dma_start3A_411 : memref<1000000x64xf32, #tpu.memory_space<hbm>>) target(%dma_start3A_407 : memref<128x64xf32, #tpu.memory_space<vmem>>) offsets(%dma_start3A_408 : memref<128xi32, #tpu.memory_space<vmem>>) semaphore(%dma_start3A_413 : memref<!tpu.dma_semaphore, #tpu.memory_space<semaphore_mem>>)
      %sub3A_414 = arith.constant 4 : i32
      %sub3A_415 = arith.subi %add3A_394, %sub3A_414 : i32
      %ge3A_416 = arith.constant 0 : i32
      %ge3A_417 = arith.cmpi sge, %sub3A_415, %ge3A_416 : i32
      %convert_element_type3A_418 = arith.extui %ge3A_417 : i1 to i32
      %cond3A_419 = arith.constant 0 : i32
      %cond3A_420 = arith.cmpi ne, %convert_element_type3A_418, %cond3A_419 : i32
      scf.if %cond3A_420 {
        %mul3A_511 = arith.constant 128 : i32
        %mul3A_512 = arith.muli %sub3A_415, %mul3A_511 : i32
        %dma_wait3A_513 = arith.constant 0 : i32
        %dma_wait3A_514 = arith.constant 0 : i32
        %dma_wait3A_515 = arith.constant 0 : i32
        %dma_wait3A_516 = arith.constant 0 : i32
        %dma_wait3A_517 = tpu.memref_slice %arg6[%dma_wait3A_513, %dma_wait3A_515, %dma_wait3A_516] : memref<8x128x64xf32, #tpu.memory_space<vmem>> -> memref<1x128x64xf32, #tpu.memory_space<vmem>>
        %dma_wait3A_518 = tpu.memref_squeeze %dma_wait3A_517 : memref<1x128x64xf32, #tpu.memory_space<vmem>> -> memref<128x64xf32, #tpu.memory_space<vmem>>
        %dma_wait3A_519 = tpu.memref_slice %arg5[%mul3A_512] : memref<25600xi32, #tpu.memory_space<vmem>> -> memref<128xi32, #tpu.memory_space<vmem>>
        %dma_wait3A_520 = arith.constant 0 : i32
        %dma_wait3A_521 = arith.constant 0 : i32
        %dma_wait3A_522 = tpu.memref_slice %arg2[%dma_wait3A_520, %dma_wait3A_521] : memref<1000000x64xf32, #tpu.memory_space<hbm>> -> memref<1000000x64xf32, #tpu.memory_space<hbm>>
        %dma_wait3A_523 = tpu.memref_slice %arg7[%dma_wait3A_514] : memref<8x!tpu.dma_semaphore, #tpu.memory_space<semaphore_mem>> -> memref<1x!tpu.dma_semaphore, #tpu.memory_space<semaphore_mem>>
        %dma_wait3A_524 = tpu.memref_squeeze %dma_wait3A_523 : memref<1x!tpu.dma_semaphore, #tpu.memory_space<semaphore_mem>> -> memref<!tpu.dma_semaphore, #tpu.memory_space<semaphore_mem>>
        tpu.wait_indirect_dma semaphore(%dma_wait3A_524 : memref<!tpu.dma_semaphore, #tpu.memory_space<semaphore_mem>>) src(%dma_wait3A_522 : memref<1000000x64xf32, #tpu.memory_space<hbm>>) dst(%dma_wait3A_518 : memref<128x64xf32, #tpu.memory_space<vmem>>)
        %mul3A_525 = arith.constant 128 : i32
        %mul3A_526 = arith.muli %sub3A_415, %mul3A_525 : i32
        %add3A_527 = arith.addi %mul3A_2, %mul3A_526 : i32
        %dma_start3A_528 = arith.constant 0 : i32
        %dma_start3A_529 = arith.constant 0 : i32
        %dma_start3A_530 = arith.constant 0 : i32
        %dma_start3A_531 = arith.constant 0 : i32
        %dma_start3A_532 = tpu.memref_slice %arg6[%dma_start3A_528, %dma_start3A_530, %dma_start3A_531] : memref<8x128x64xf32, #tpu.memory_space<vmem>> -> memref<1x128x64xf32, #tpu.memory_space<vmem>>
        %dma_start3A_533 = tpu.memref_squeeze %dma_start3A_532 : memref<1x128x64xf32, #tpu.memory_space<vmem>> -> memref<128x64xf32, #tpu.memory_space<vmem>>
        %dma_start3A_534 = arith.constant 0 : i32
        %dma_start3A_535 = tpu.memref_slice %arg4[%add3A_527, %dma_start3A_534] : memref<819200x64xf32, #tpu.memory_space<hbm>> -> memref<128x64xf32, #tpu.memory_space<hbm>>
        %dma_start3A_536 = tpu.memref_slice %arg8[%dma_start3A_529] : memref<8x!tpu.dma_semaphore, #tpu.memory_space<semaphore_mem>> -> memref<1x!tpu.dma_semaphore, #tpu.memory_space<semaphore_mem>>
        %dma_start3A_537 = tpu.memref_squeeze %dma_start3A_536 : memref<1x!tpu.dma_semaphore, #tpu.memory_space<semaphore_mem>> -> memref<!tpu.dma_semaphore, #tpu.memory_space<semaphore_mem>>
        %dma_start3A_538 = arith.constant 0 : i32
        %dma_start3A_539 = tpu.memref_slice %arg4[%add3A_527, %dma_start3A_538] : memref<819200x64xf32, #tpu.memory_space<hbm>> -> memref<128x64xf32, #tpu.memory_space<hbm>>
        %dma_start3A_540 = arith.constant 0 : i32
        %dma_start3A_541 = arith.constant 0 : i32
        %dma_start3A_542 = tpu.memref_slice %arg6[%dma_start3A_528, %dma_start3A_540, %dma_start3A_541] : memref<8x128x64xf32, #tpu.memory_space<vmem>> -> memref<1x128x64xf32, #tpu.memory_space<vmem>>
        %dma_start3A_543 = tpu.memref_squeeze %dma_start3A_542 : memref<1x128x64xf32, #tpu.memory_space<vmem>> -> memref<128x64xf32, #tpu.memory_space<vmem>>
        tpu.enqueue_dma source(%dma_start3A_543 : memref<128x64xf32, #tpu.memory_space<vmem>>) target(%dma_start3A_539 : memref<128x64xf32, #tpu.memory_space<hbm>>) target_semaphore(%dma_start3A_537 : memref<!tpu.dma_semaphore, #tpu.memory_space<semaphore_mem>>)
      } else {
      }
      %mul3A_421 = arith.constant 8 : i32
      %mul3A_422 = arith.muli %scan3A_274, %mul3A_421 : i32
      %add3A_423 = arith.constant 5 : i32
      %add3A_424 = arith.addi %mul3A_422, %add3A_423 : i32
      %ge3A_425 = arith.constant 8 : i32
      %ge3A_426 = arith.cmpi sge, %add3A_424, %ge3A_425 : i32
      %convert_element_type3A_427 = arith.extui %ge3A_426 : i1 to i32
      %cond3A_428 = arith.constant 0 : i32
      %cond3A_429 = arith.cmpi ne, %convert_element_type3A_427, %cond3A_428 : i32
      scf.if %cond3A_429 {
        %sub3A_511 = arith.constant 8 : i32
        %sub3A_512 = arith.subi %add3A_424, %sub3A_511 : i32
        %mul3A_513 = arith.constant 128 : i32
        %mul3A_514 = arith.muli %sub3A_512, %mul3A_513 : i32
        %add3A_515 = arith.addi %mul3A_2, %mul3A_514 : i32
        %dma_wait3A_516 = arith.constant 5 : i32
        %dma_wait3A_517 = arith.constant 5 : i32
        %dma_wait3A_518 = arith.constant 0 : i32
        %dma_wait3A_519 = arith.constant 0 : i32
        %dma_wait3A_520 = tpu.memref_slice %arg6[%dma_wait3A_516, %dma_wait3A_518, %dma_wait3A_519] : memref<8x128x64xf32, #tpu.memory_space<vmem>> -> memref<1x128x64xf32, #tpu.memory_space<vmem>>
        %dma_wait3A_521 = tpu.memref_squeeze %dma_wait3A_520 : memref<1x128x64xf32, #tpu.memory_space<vmem>> -> memref<128x64xf32, #tpu.memory_space<vmem>>
        %dma_wait3A_522 = arith.constant 0 : i32
        %dma_wait3A_523 = tpu.memref_slice %arg4[%add3A_515, %dma_wait3A_522] : memref<819200x64xf32, #tpu.memory_space<hbm>> -> memref<128x64xf32, #tpu.memory_space<hbm>>
        %dma_wait3A_524 = tpu.memref_slice %arg8[%dma_wait3A_517] : memref<8x!tpu.dma_semaphore, #tpu.memory_space<semaphore_mem>> -> memref<1x!tpu.dma_semaphore, #tpu.memory_space<semaphore_mem>>
        %dma_wait3A_525 = tpu.memref_squeeze %dma_wait3A_524 : memref<1x!tpu.dma_semaphore, #tpu.memory_space<semaphore_mem>> -> memref<!tpu.dma_semaphore, #tpu.memory_space<semaphore_mem>>
        %dma_wait3A_526 = arith.constant 0 : i32
        %dma_wait3A_527 = tpu.memref_slice %arg4[%add3A_515, %dma_wait3A_526] : memref<819200x64xf32, #tpu.memory_space<hbm>> -> memref<128x64xf32, #tpu.memory_space<hbm>>
        %dma_wait3A_528 = arith.constant 0 : i32
        %dma_wait3A_529 = arith.constant 0 : i32
        %dma_wait3A_530 = tpu.memref_slice %arg6[%dma_wait3A_516, %dma_wait3A_528, %dma_wait3A_529] : memref<8x128x64xf32, #tpu.memory_space<vmem>> -> memref<1x128x64xf32, #tpu.memory_space<vmem>>
        %dma_wait3A_531 = tpu.memref_squeeze %dma_wait3A_530 : memref<1x128x64xf32, #tpu.memory_space<vmem>> -> memref<128x64xf32, #tpu.memory_space<vmem>>
        tpu.wait_dma2 semaphore(%dma_wait3A_525 : memref<!tpu.dma_semaphore, #tpu.memory_space<semaphore_mem>>) src(%dma_wait3A_531 : memref<128x64xf32, #tpu.memory_space<vmem>>) dst(%dma_wait3A_527 : memref<128x64xf32, #tpu.memory_space<hbm>>)
      } else {
      }
      %mul3A_430 = arith.constant 128 : i32
      %mul3A_431 = arith.muli %add3A_424, %mul3A_430 : i32
      %dma_start3A_432 = arith.constant 5 : i32
      %dma_start3A_433 = arith.constant 5 : i32
      %dma_start3A_434 = arith.constant 0 : i32
      %dma_start3A_435 = arith.constant 0 : i32
      %dma_start3A_436 = tpu.memref_slice %arg6[%dma_start3A_432, %dma_start3A_434, %dma_start3A_435] : memref<8x128x64xf32, #tpu.memory_space<vmem>> -> memref<1x128x64xf32, #tpu.memory_space<vmem>>
      %dma_start3A_437 = tpu.memref_squeeze %dma_start3A_436 : memref<1x128x64xf32, #tpu.memory_space<vmem>> -> memref<128x64xf32, #tpu.memory_space<vmem>>
      %dma_start3A_438 = tpu.memref_slice %arg5[%mul3A_431] : memref<25600xi32, #tpu.memory_space<vmem>> -> memref<128xi32, #tpu.memory_space<vmem>>
      %dma_start3A_439 = arith.constant 0 : i32
      %dma_start3A_440 = arith.constant 0 : i32
      %dma_start3A_441 = tpu.memref_slice %arg2[%dma_start3A_439, %dma_start3A_440] : memref<1000000x64xf32, #tpu.memory_space<hbm>> -> memref<1000000x64xf32, #tpu.memory_space<hbm>>
      %dma_start3A_442 = tpu.memref_slice %arg7[%dma_start3A_433] : memref<8x!tpu.dma_semaphore, #tpu.memory_space<semaphore_mem>> -> memref<1x!tpu.dma_semaphore, #tpu.memory_space<semaphore_mem>>
      %dma_start3A_443 = tpu.memref_squeeze %dma_start3A_442 : memref<1x!tpu.dma_semaphore, #tpu.memory_space<semaphore_mem>> -> memref<!tpu.dma_semaphore, #tpu.memory_space<semaphore_mem>>
      tpu.enqueue_indirect_dma source(%dma_start3A_441 : memref<1000000x64xf32, #tpu.memory_space<hbm>>) target(%dma_start3A_437 : memref<128x64xf32, #tpu.memory_space<vmem>>) offsets(%dma_start3A_438 : memref<128xi32, #tpu.memory_space<vmem>>) semaphore(%dma_start3A_443 : memref<!tpu.dma_semaphore, #tpu.memory_space<semaphore_mem>>)
      %sub3A_444 = arith.constant 4 : i32
      %sub3A_445 = arith.subi %add3A_424, %sub3A_444 : i32
      %ge3A_446 = arith.constant 0 : i32
      %ge3A_447 = arith.cmpi sge, %sub3A_445, %ge3A_446 : i32
      %convert_element_type3A_448 = arith.extui %ge3A_447 : i1 to i32
      %cond3A_449 = arith.constant 0 : i32
      %cond3A_450 = arith.cmpi ne, %convert_element_type3A_448, %cond3A_449 : i32
      scf.if %cond3A_450 {
        %mul3A_511 = arith.constant 128 : i32
        %mul3A_512 = arith.muli %sub3A_445, %mul3A_511 : i32
        %dma_wait3A_513 = arith.constant 1 : i32
        %dma_wait3A_514 = arith.constant 1 : i32
        %dma_wait3A_515 = arith.constant 0 : i32
        %dma_wait3A_516 = arith.constant 0 : i32
        %dma_wait3A_517 = tpu.memref_slice %arg6[%dma_wait3A_513, %dma_wait3A_515, %dma_wait3A_516] : memref<8x128x64xf32, #tpu.memory_space<vmem>> -> memref<1x128x64xf32, #tpu.memory_space<vmem>>
        %dma_wait3A_518 = tpu.memref_squeeze %dma_wait3A_517 : memref<1x128x64xf32, #tpu.memory_space<vmem>> -> memref<128x64xf32, #tpu.memory_space<vmem>>
        %dma_wait3A_519 = tpu.memref_slice %arg5[%mul3A_512] : memref<25600xi32, #tpu.memory_space<vmem>> -> memref<128xi32, #tpu.memory_space<vmem>>
        %dma_wait3A_520 = arith.constant 0 : i32
        %dma_wait3A_521 = arith.constant 0 : i32
        %dma_wait3A_522 = tpu.memref_slice %arg2[%dma_wait3A_520, %dma_wait3A_521] : memref<1000000x64xf32, #tpu.memory_space<hbm>> -> memref<1000000x64xf32, #tpu.memory_space<hbm>>
        %dma_wait3A_523 = tpu.memref_slice %arg7[%dma_wait3A_514] : memref<8x!tpu.dma_semaphore, #tpu.memory_space<semaphore_mem>> -> memref<1x!tpu.dma_semaphore, #tpu.memory_space<semaphore_mem>>
        %dma_wait3A_524 = tpu.memref_squeeze %dma_wait3A_523 : memref<1x!tpu.dma_semaphore, #tpu.memory_space<semaphore_mem>> -> memref<!tpu.dma_semaphore, #tpu.memory_space<semaphore_mem>>
        tpu.wait_indirect_dma semaphore(%dma_wait3A_524 : memref<!tpu.dma_semaphore, #tpu.memory_space<semaphore_mem>>) src(%dma_wait3A_522 : memref<1000000x64xf32, #tpu.memory_space<hbm>>) dst(%dma_wait3A_518 : memref<128x64xf32, #tpu.memory_space<vmem>>)
        %mul3A_525 = arith.constant 128 : i32
        %mul3A_526 = arith.muli %sub3A_445, %mul3A_525 : i32
        %add3A_527 = arith.addi %mul3A_2, %mul3A_526 : i32
        %dma_start3A_528 = arith.constant 1 : i32
        %dma_start3A_529 = arith.constant 1 : i32
        %dma_start3A_530 = arith.constant 0 : i32
        %dma_start3A_531 = arith.constant 0 : i32
        %dma_start3A_532 = tpu.memref_slice %arg6[%dma_start3A_528, %dma_start3A_530, %dma_start3A_531] : memref<8x128x64xf32, #tpu.memory_space<vmem>> -> memref<1x128x64xf32, #tpu.memory_space<vmem>>
        %dma_start3A_533 = tpu.memref_squeeze %dma_start3A_532 : memref<1x128x64xf32, #tpu.memory_space<vmem>> -> memref<128x64xf32, #tpu.memory_space<vmem>>
        %dma_start3A_534 = arith.constant 0 : i32
        %dma_start3A_535 = tpu.memref_slice %arg4[%add3A_527, %dma_start3A_534] : memref<819200x64xf32, #tpu.memory_space<hbm>> -> memref<128x64xf32, #tpu.memory_space<hbm>>
        %dma_start3A_536 = tpu.memref_slice %arg8[%dma_start3A_529] : memref<8x!tpu.dma_semaphore, #tpu.memory_space<semaphore_mem>> -> memref<1x!tpu.dma_semaphore, #tpu.memory_space<semaphore_mem>>
        %dma_start3A_537 = tpu.memref_squeeze %dma_start3A_536 : memref<1x!tpu.dma_semaphore, #tpu.memory_space<semaphore_mem>> -> memref<!tpu.dma_semaphore, #tpu.memory_space<semaphore_mem>>
        %dma_start3A_538 = arith.constant 0 : i32
        %dma_start3A_539 = tpu.memref_slice %arg4[%add3A_527, %dma_start3A_538] : memref<819200x64xf32, #tpu.memory_space<hbm>> -> memref<128x64xf32, #tpu.memory_space<hbm>>
        %dma_start3A_540 = arith.constant 0 : i32
        %dma_start3A_541 = arith.constant 0 : i32
        %dma_start3A_542 = tpu.memref_slice %arg6[%dma_start3A_528, %dma_start3A_540, %dma_start3A_541] : memref<8x128x64xf32, #tpu.memory_space<vmem>> -> memref<1x128x64xf32, #tpu.memory_space<vmem>>
        %dma_start3A_543 = tpu.memref_squeeze %dma_start3A_542 : memref<1x128x64xf32, #tpu.memory_space<vmem>> -> memref<128x64xf32, #tpu.memory_space<vmem>>
        tpu.enqueue_dma source(%dma_start3A_543 : memref<128x64xf32, #tpu.memory_space<vmem>>) target(%dma_start3A_539 : memref<128x64xf32, #tpu.memory_space<hbm>>) target_semaphore(%dma_start3A_537 : memref<!tpu.dma_semaphore, #tpu.memory_space<semaphore_mem>>)
      } else {
      }
      %mul3A_451 = arith.constant 8 : i32
      %mul3A_452 = arith.muli %scan3A_274, %mul3A_451 : i32
      %add3A_453 = arith.constant 6 : i32
      %add3A_454 = arith.addi %mul3A_452, %add3A_453 : i32
      %ge3A_455 = arith.constant 8 : i32
      %ge3A_456 = arith.cmpi sge, %add3A_454, %ge3A_455 : i32
      %convert_element_type3A_457 = arith.extui %ge3A_456 : i1 to i32
      %cond3A_458 = arith.constant 0 : i32
      %cond3A_459 = arith.cmpi ne, %convert_element_type3A_457, %cond3A_458 : i32
      scf.if %cond3A_459 {
        %sub3A_511 = arith.constant 8 : i32
        %sub3A_512 = arith.subi %add3A_454, %sub3A_511 : i32
        %mul3A_513 = arith.constant 128 : i32
        %mul3A_514 = arith.muli %sub3A_512, %mul3A_513 : i32
        %add3A_515 = arith.addi %mul3A_2, %mul3A_514 : i32
        %dma_wait3A_516 = arith.constant 6 : i32
        %dma_wait3A_517 = arith.constant 6 : i32
        %dma_wait3A_518 = arith.constant 0 : i32
        %dma_wait3A_519 = arith.constant 0 : i32
        %dma_wait3A_520 = tpu.memref_slice %arg6[%dma_wait3A_516, %dma_wait3A_518, %dma_wait3A_519] : memref<8x128x64xf32, #tpu.memory_space<vmem>> -> memref<1x128x64xf32, #tpu.memory_space<vmem>>
        %dma_wait3A_521 = tpu.memref_squeeze %dma_wait3A_520 : memref<1x128x64xf32, #tpu.memory_space<vmem>> -> memref<128x64xf32, #tpu.memory_space<vmem>>
        %dma_wait3A_522 = arith.constant 0 : i32
        %dma_wait3A_523 = tpu.memref_slice %arg4[%add3A_515, %dma_wait3A_522] : memref<819200x64xf32, #tpu.memory_space<hbm>> -> memref<128x64xf32, #tpu.memory_space<hbm>>
        %dma_wait3A_524 = tpu.memref_slice %arg8[%dma_wait3A_517] : memref<8x!tpu.dma_semaphore, #tpu.memory_space<semaphore_mem>> -> memref<1x!tpu.dma_semaphore, #tpu.memory_space<semaphore_mem>>
        %dma_wait3A_525 = tpu.memref_squeeze %dma_wait3A_524 : memref<1x!tpu.dma_semaphore, #tpu.memory_space<semaphore_mem>> -> memref<!tpu.dma_semaphore, #tpu.memory_space<semaphore_mem>>
        %dma_wait3A_526 = arith.constant 0 : i32
        %dma_wait3A_527 = tpu.memref_slice %arg4[%add3A_515, %dma_wait3A_526] : memref<819200x64xf32, #tpu.memory_space<hbm>> -> memref<128x64xf32, #tpu.memory_space<hbm>>
        %dma_wait3A_528 = arith.constant 0 : i32
        %dma_wait3A_529 = arith.constant 0 : i32
        %dma_wait3A_530 = tpu.memref_slice %arg6[%dma_wait3A_516, %dma_wait3A_528, %dma_wait3A_529] : memref<8x128x64xf32, #tpu.memory_space<vmem>> -> memref<1x128x64xf32, #tpu.memory_space<vmem>>
        %dma_wait3A_531 = tpu.memref_squeeze %dma_wait3A_530 : memref<1x128x64xf32, #tpu.memory_space<vmem>> -> memref<128x64xf32, #tpu.memory_space<vmem>>
        tpu.wait_dma2 semaphore(%dma_wait3A_525 : memref<!tpu.dma_semaphore, #tpu.memory_space<semaphore_mem>>) src(%dma_wait3A_531 : memref<128x64xf32, #tpu.memory_space<vmem>>) dst(%dma_wait3A_527 : memref<128x64xf32, #tpu.memory_space<hbm>>)
      } else {
      }
      %mul3A_460 = arith.constant 128 : i32
      %mul3A_461 = arith.muli %add3A_454, %mul3A_460 : i32
      %dma_start3A_462 = arith.constant 6 : i32
      %dma_start3A_463 = arith.constant 6 : i32
      %dma_start3A_464 = arith.constant 0 : i32
      %dma_start3A_465 = arith.constant 0 : i32
      %dma_start3A_466 = tpu.memref_slice %arg6[%dma_start3A_462, %dma_start3A_464, %dma_start3A_465] : memref<8x128x64xf32, #tpu.memory_space<vmem>> -> memref<1x128x64xf32, #tpu.memory_space<vmem>>
      %dma_start3A_467 = tpu.memref_squeeze %dma_start3A_466 : memref<1x128x64xf32, #tpu.memory_space<vmem>> -> memref<128x64xf32, #tpu.memory_space<vmem>>
      %dma_start3A_468 = tpu.memref_slice %arg5[%mul3A_461] : memref<25600xi32, #tpu.memory_space<vmem>> -> memref<128xi32, #tpu.memory_space<vmem>>
      %dma_start3A_469 = arith.constant 0 : i32
      %dma_start3A_470 = arith.constant 0 : i32
      %dma_start3A_471 = tpu.memref_slice %arg2[%dma_start3A_469, %dma_start3A_470] : memref<1000000x64xf32, #tpu.memory_space<hbm>> -> memref<1000000x64xf32, #tpu.memory_space<hbm>>
      %dma_start3A_472 = tpu.memref_slice %arg7[%dma_start3A_463] : memref<8x!tpu.dma_semaphore, #tpu.memory_space<semaphore_mem>> -> memref<1x!tpu.dma_semaphore, #tpu.memory_space<semaphore_mem>>
      %dma_start3A_473 = tpu.memref_squeeze %dma_start3A_472 : memref<1x!tpu.dma_semaphore, #tpu.memory_space<semaphore_mem>> -> memref<!tpu.dma_semaphore, #tpu.memory_space<semaphore_mem>>
      tpu.enqueue_indirect_dma source(%dma_start3A_471 : memref<1000000x64xf32, #tpu.memory_space<hbm>>) target(%dma_start3A_467 : memref<128x64xf32, #tpu.memory_space<vmem>>) offsets(%dma_start3A_468 : memref<128xi32, #tpu.memory_space<vmem>>) semaphore(%dma_start3A_473 : memref<!tpu.dma_semaphore, #tpu.memory_space<semaphore_mem>>)
      %sub3A_474 = arith.constant 4 : i32
      %sub3A_475 = arith.subi %add3A_454, %sub3A_474 : i32
      %ge3A_476 = arith.constant 0 : i32
      %ge3A_477 = arith.cmpi sge, %sub3A_475, %ge3A_476 : i32
      %convert_element_type3A_478 = arith.extui %ge3A_477 : i1 to i32
      %cond3A_479 = arith.constant 0 : i32
      %cond3A_480 = arith.cmpi ne, %convert_element_type3A_478, %cond3A_479 : i32
      scf.if %cond3A_480 {
        %mul3A_511 = arith.constant 128 : i32
        %mul3A_512 = arith.muli %sub3A_475, %mul3A_511 : i32
        %dma_wait3A_513 = arith.constant 2 : i32
        %dma_wait3A_514 = arith.constant 2 : i32
        %dma_wait3A_515 = arith.constant 0 : i32
        %dma_wait3A_516 = arith.constant 0 : i32
        %dma_wait3A_517 = tpu.memref_slice %arg6[%dma_wait3A_513, %dma_wait3A_515, %dma_wait3A_516] : memref<8x128x64xf32, #tpu.memory_space<vmem>> -> memref<1x128x64xf32, #tpu.memory_space<vmem>>
        %dma_wait3A_518 = tpu.memref_squeeze %dma_wait3A_517 : memref<1x128x64xf32, #tpu.memory_space<vmem>> -> memref<128x64xf32, #tpu.memory_space<vmem>>
        %dma_wait3A_519 = tpu.memref_slice %arg5[%mul3A_512] : memref<25600xi32, #tpu.memory_space<vmem>> -> memref<128xi32, #tpu.memory_space<vmem>>
        %dma_wait3A_520 = arith.constant 0 : i32
        %dma_wait3A_521 = arith.constant 0 : i32
        %dma_wait3A_522 = tpu.memref_slice %arg2[%dma_wait3A_520, %dma_wait3A_521] : memref<1000000x64xf32, #tpu.memory_space<hbm>> -> memref<1000000x64xf32, #tpu.memory_space<hbm>>
        %dma_wait3A_523 = tpu.memref_slice %arg7[%dma_wait3A_514] : memref<8x!tpu.dma_semaphore, #tpu.memory_space<semaphore_mem>> -> memref<1x!tpu.dma_semaphore, #tpu.memory_space<semaphore_mem>>
        %dma_wait3A_524 = tpu.memref_squeeze %dma_wait3A_523 : memref<1x!tpu.dma_semaphore, #tpu.memory_space<semaphore_mem>> -> memref<!tpu.dma_semaphore, #tpu.memory_space<semaphore_mem>>
        tpu.wait_indirect_dma semaphore(%dma_wait3A_524 : memref<!tpu.dma_semaphore, #tpu.memory_space<semaphore_mem>>) src(%dma_wait3A_522 : memref<1000000x64xf32, #tpu.memory_space<hbm>>) dst(%dma_wait3A_518 : memref<128x64xf32, #tpu.memory_space<vmem>>)
        %mul3A_525 = arith.constant 128 : i32
        %mul3A_526 = arith.muli %sub3A_475, %mul3A_525 : i32
        %add3A_527 = arith.addi %mul3A_2, %mul3A_526 : i32
        %dma_start3A_528 = arith.constant 2 : i32
        %dma_start3A_529 = arith.constant 2 : i32
        %dma_start3A_530 = arith.constant 0 : i32
        %dma_start3A_531 = arith.constant 0 : i32
        %dma_start3A_532 = tpu.memref_slice %arg6[%dma_start3A_528, %dma_start3A_530, %dma_start3A_531] : memref<8x128x64xf32, #tpu.memory_space<vmem>> -> memref<1x128x64xf32, #tpu.memory_space<vmem>>
        %dma_start3A_533 = tpu.memref_squeeze %dma_start3A_532 : memref<1x128x64xf32, #tpu.memory_space<vmem>> -> memref<128x64xf32, #tpu.memory_space<vmem>>
        %dma_start3A_534 = arith.constant 0 : i32
        %dma_start3A_535 = tpu.memref_slice %arg4[%add3A_527, %dma_start3A_534] : memref<819200x64xf32, #tpu.memory_space<hbm>> -> memref<128x64xf32, #tpu.memory_space<hbm>>
        %dma_start3A_536 = tpu.memref_slice %arg8[%dma_start3A_529] : memref<8x!tpu.dma_semaphore, #tpu.memory_space<semaphore_mem>> -> memref<1x!tpu.dma_semaphore, #tpu.memory_space<semaphore_mem>>
        %dma_start3A_537 = tpu.memref_squeeze %dma_start3A_536 : memref<1x!tpu.dma_semaphore, #tpu.memory_space<semaphore_mem>> -> memref<!tpu.dma_semaphore, #tpu.memory_space<semaphore_mem>>
        %dma_start3A_538 = arith.constant 0 : i32
        %dma_start3A_539 = tpu.memref_slice %arg4[%add3A_527, %dma_start3A_538] : memref<819200x64xf32, #tpu.memory_space<hbm>> -> memref<128x64xf32, #tpu.memory_space<hbm>>
        %dma_start3A_540 = arith.constant 0 : i32
        %dma_start3A_541 = arith.constant 0 : i32
        %dma_start3A_542 = tpu.memref_slice %arg6[%dma_start3A_528, %dma_start3A_540, %dma_start3A_541] : memref<8x128x64xf32, #tpu.memory_space<vmem>> -> memref<1x128x64xf32, #tpu.memory_space<vmem>>
        %dma_start3A_543 = tpu.memref_squeeze %dma_start3A_542 : memref<1x128x64xf32, #tpu.memory_space<vmem>> -> memref<128x64xf32, #tpu.memory_space<vmem>>
        tpu.enqueue_dma source(%dma_start3A_543 : memref<128x64xf32, #tpu.memory_space<vmem>>) target(%dma_start3A_539 : memref<128x64xf32, #tpu.memory_space<hbm>>) target_semaphore(%dma_start3A_537 : memref<!tpu.dma_semaphore, #tpu.memory_space<semaphore_mem>>)
      } else {
      }
      %mul3A_481 = arith.constant 8 : i32
      %mul3A_482 = arith.muli %scan3A_274, %mul3A_481 : i32
      %add3A_483 = arith.constant 7 : i32
      %add3A_484 = arith.addi %mul3A_482, %add3A_483 : i32
      %ge3A_485 = arith.constant 8 : i32
      %ge3A_486 = arith.cmpi sge, %add3A_484, %ge3A_485 : i32
      %convert_element_type3A_487 = arith.extui %ge3A_486 : i1 to i32
      %cond3A_488 = arith.constant 0 : i32
      %cond3A_489 = arith.cmpi ne, %convert_element_type3A_487, %cond3A_488 : i32
      scf.if %cond3A_489 {
        %sub3A_511 = arith.constant 8 : i32
        %sub3A_512 = arith.subi %add3A_484, %sub3A_511 : i32
        %mul3A_513 = arith.constant 128 : i32
        %mul3A_514 = arith.muli %sub3A_512, %mul3A_513 : i32
        %add3A_515 = arith.addi %mul3A_2, %mul3A_514 : i32
        %dma_wait3A_516 = arith.constant 7 : i32
        %dma_wait3A_517 = arith.constant 7 : i32
        %dma_wait3A_518 = arith.constant 0 : i32
        %dma_wait3A_519 = arith.constant 0 : i32
        %dma_wait3A_520 = tpu.memref_slice %arg6[%dma_wait3A_516, %dma_wait3A_518, %dma_wait3A_519] : memref<8x128x64xf32, #tpu.memory_space<vmem>> -> memref<1x128x64xf32, #tpu.memory_space<vmem>>
        %dma_wait3A_521 = tpu.memref_squeeze %dma_wait3A_520 : memref<1x128x64xf32, #tpu.memory_space<vmem>> -> memref<128x64xf32, #tpu.memory_space<vmem>>
        %dma_wait3A_522 = arith.constant 0 : i32
        %dma_wait3A_523 = tpu.memref_slice %arg4[%add3A_515, %dma_wait3A_522] : memref<819200x64xf32, #tpu.memory_space<hbm>> -> memref<128x64xf32, #tpu.memory_space<hbm>>
        %dma_wait3A_524 = tpu.memref_slice %arg8[%dma_wait3A_517] : memref<8x!tpu.dma_semaphore, #tpu.memory_space<semaphore_mem>> -> memref<1x!tpu.dma_semaphore, #tpu.memory_space<semaphore_mem>>
        %dma_wait3A_525 = tpu.memref_squeeze %dma_wait3A_524 : memref<1x!tpu.dma_semaphore, #tpu.memory_space<semaphore_mem>> -> memref<!tpu.dma_semaphore, #tpu.memory_space<semaphore_mem>>
        %dma_wait3A_526 = arith.constant 0 : i32
        %dma_wait3A_527 = tpu.memref_slice %arg4[%add3A_515, %dma_wait3A_526] : memref<819200x64xf32, #tpu.memory_space<hbm>> -> memref<128x64xf32, #tpu.memory_space<hbm>>
        %dma_wait3A_528 = arith.constant 0 : i32
        %dma_wait3A_529 = arith.constant 0 : i32
        %dma_wait3A_530 = tpu.memref_slice %arg6[%dma_wait3A_516, %dma_wait3A_528, %dma_wait3A_529] : memref<8x128x64xf32, #tpu.memory_space<vmem>> -> memref<1x128x64xf32, #tpu.memory_space<vmem>>
        %dma_wait3A_531 = tpu.memref_squeeze %dma_wait3A_530 : memref<1x128x64xf32, #tpu.memory_space<vmem>> -> memref<128x64xf32, #tpu.memory_space<vmem>>
        tpu.wait_dma2 semaphore(%dma_wait3A_525 : memref<!tpu.dma_semaphore, #tpu.memory_space<semaphore_mem>>) src(%dma_wait3A_531 : memref<128x64xf32, #tpu.memory_space<vmem>>) dst(%dma_wait3A_527 : memref<128x64xf32, #tpu.memory_space<hbm>>)
      } else {
      }
      %mul3A_490 = arith.constant 128 : i32
      %mul3A_491 = arith.muli %add3A_484, %mul3A_490 : i32
      %dma_start3A_492 = arith.constant 7 : i32
      %dma_start3A_493 = arith.constant 7 : i32
      %dma_start3A_494 = arith.constant 0 : i32
      %dma_start3A_495 = arith.constant 0 : i32
      %dma_start3A_496 = tpu.memref_slice %arg6[%dma_start3A_492, %dma_start3A_494, %dma_start3A_495] : memref<8x128x64xf32, #tpu.memory_space<vmem>> -> memref<1x128x64xf32, #tpu.memory_space<vmem>>
      %dma_start3A_497 = tpu.memref_squeeze %dma_start3A_496 : memref<1x128x64xf32, #tpu.memory_space<vmem>> -> memref<128x64xf32, #tpu.memory_space<vmem>>
      %dma_start3A_498 = tpu.memref_slice %arg5[%mul3A_491] : memref<25600xi32, #tpu.memory_space<vmem>> -> memref<128xi32, #tpu.memory_space<vmem>>
      %dma_start3A_499 = arith.constant 0 : i32
      %dma_start3A_500 = arith.constant 0 : i32
      %dma_start3A_501 = tpu.memref_slice %arg2[%dma_start3A_499, %dma_start3A_500] : memref<1000000x64xf32, #tpu.memory_space<hbm>> -> memref<1000000x64xf32, #tpu.memory_space<hbm>>
      %dma_start3A_502 = tpu.memref_slice %arg7[%dma_start3A_493] : memref<8x!tpu.dma_semaphore, #tpu.memory_space<semaphore_mem>> -> memref<1x!tpu.dma_semaphore, #tpu.memory_space<semaphore_mem>>
      %dma_start3A_503 = tpu.memref_squeeze %dma_start3A_502 : memref<1x!tpu.dma_semaphore, #tpu.memory_space<semaphore_mem>> -> memref<!tpu.dma_semaphore, #tpu.memory_space<semaphore_mem>>
      tpu.enqueue_indirect_dma source(%dma_start3A_501 : memref<1000000x64xf32, #tpu.memory_space<hbm>>) target(%dma_start3A_497 : memref<128x64xf32, #tpu.memory_space<vmem>>) offsets(%dma_start3A_498 : memref<128xi32, #tpu.memory_space<vmem>>) semaphore(%dma_start3A_503 : memref<!tpu.dma_semaphore, #tpu.memory_space<semaphore_mem>>)
      %sub3A_504 = arith.constant 4 : i32
      %sub3A_505 = arith.subi %add3A_484, %sub3A_504 : i32
      %ge3A_506 = arith.constant 0 : i32
      %ge3A_507 = arith.cmpi sge, %sub3A_505, %ge3A_506 : i32
      %convert_element_type3A_508 = arith.extui %ge3A_507 : i1 to i32
      %cond3A_509 = arith.constant 0 : i32
      %cond3A_510 = arith.cmpi ne, %convert_element_type3A_508, %cond3A_509 : i32
      scf.if %cond3A_510 {
        %mul3A_511 = arith.constant 128 : i32
        %mul3A_512 = arith.muli %sub3A_505, %mul3A_511 : i32
        %dma_wait3A_513 = arith.constant 3 : i32
        %dma_wait3A_514 = arith.constant 3 : i32
        %dma_wait3A_515 = arith.constant 0 : i32
        %dma_wait3A_516 = arith.constant 0 : i32
        %dma_wait3A_517 = tpu.memref_slice %arg6[%dma_wait3A_513, %dma_wait3A_515, %dma_wait3A_516] : memref<8x128x64xf32, #tpu.memory_space<vmem>> -> memref<1x128x64xf32, #tpu.memory_space<vmem>>
        %dma_wait3A_518 = tpu.memref_squeeze %dma_wait3A_517 : memref<1x128x64xf32, #tpu.memory_space<vmem>> -> memref<128x64xf32, #tpu.memory_space<vmem>>
        %dma_wait3A_519 = tpu.memref_slice %arg5[%mul3A_512] : memref<25600xi32, #tpu.memory_space<vmem>> -> memref<128xi32, #tpu.memory_space<vmem>>
        %dma_wait3A_520 = arith.constant 0 : i32
        %dma_wait3A_521 = arith.constant 0 : i32
        %dma_wait3A_522 = tpu.memref_slice %arg2[%dma_wait3A_520, %dma_wait3A_521] : memref<1000000x64xf32, #tpu.memory_space<hbm>> -> memref<1000000x64xf32, #tpu.memory_space<hbm>>
        %dma_wait3A_523 = tpu.memref_slice %arg7[%dma_wait3A_514] : memref<8x!tpu.dma_semaphore, #tpu.memory_space<semaphore_mem>> -> memref<1x!tpu.dma_semaphore, #tpu.memory_space<semaphore_mem>>
        %dma_wait3A_524 = tpu.memref_squeeze %dma_wait3A_523 : memref<1x!tpu.dma_semaphore, #tpu.memory_space<semaphore_mem>> -> memref<!tpu.dma_semaphore, #tpu.memory_space<semaphore_mem>>
        tpu.wait_indirect_dma semaphore(%dma_wait3A_524 : memref<!tpu.dma_semaphore, #tpu.memory_space<semaphore_mem>>) src(%dma_wait3A_522 : memref<1000000x64xf32, #tpu.memory_space<hbm>>) dst(%dma_wait3A_518 : memref<128x64xf32, #tpu.memory_space<vmem>>)
        %mul3A_525 = arith.constant 128 : i32
        %mul3A_526 = arith.muli %sub3A_505, %mul3A_525 : i32
        %add3A_527 = arith.addi %mul3A_2, %mul3A_526 : i32
        %dma_start3A_528 = arith.constant 3 : i32
        %dma_start3A_529 = arith.constant 3 : i32
        %dma_start3A_530 = arith.constant 0 : i32
        %dma_start3A_531 = arith.constant 0 : i32
        %dma_start3A_532 = tpu.memref_slice %arg6[%dma_start3A_528, %dma_start3A_530, %dma_start3A_531] : memref<8x128x64xf32, #tpu.memory_space<vmem>> -> memref<1x128x64xf32, #tpu.memory_space<vmem>>
        %dma_start3A_533 = tpu.memref_squeeze %dma_start3A_532 : memref<1x128x64xf32, #tpu.memory_space<vmem>> -> memref<128x64xf32, #tpu.memory_space<vmem>>
        %dma_start3A_534 = arith.constant 0 : i32
        %dma_start3A_535 = tpu.memref_slice %arg4[%add3A_527, %dma_start3A_534] : memref<819200x64xf32, #tpu.memory_space<hbm>> -> memref<128x64xf32, #tpu.memory_space<hbm>>
        %dma_start3A_536 = tpu.memref_slice %arg8[%dma_start3A_529] : memref<8x!tpu.dma_semaphore, #tpu.memory_space<semaphore_mem>> -> memref<1x!tpu.dma_semaphore, #tpu.memory_space<semaphore_mem>>
        %dma_start3A_537 = tpu.memref_squeeze %dma_start3A_536 : memref<1x!tpu.dma_semaphore, #tpu.memory_space<semaphore_mem>> -> memref<!tpu.dma_semaphore, #tpu.memory_space<semaphore_mem>>
        %dma_start3A_538 = arith.constant 0 : i32
        %dma_start3A_539 = tpu.memref_slice %arg4[%add3A_527, %dma_start3A_538] : memref<819200x64xf32, #tpu.memory_space<hbm>> -> memref<128x64xf32, #tpu.memory_space<hbm>>
        %dma_start3A_540 = arith.constant 0 : i32
        %dma_start3A_541 = arith.constant 0 : i32
        %dma_start3A_542 = tpu.memref_slice %arg6[%dma_start3A_528, %dma_start3A_540, %dma_start3A_541] : memref<8x128x64xf32, #tpu.memory_space<vmem>> -> memref<1x128x64xf32, #tpu.memory_space<vmem>>
        %dma_start3A_543 = tpu.memref_squeeze %dma_start3A_542 : memref<1x128x64xf32, #tpu.memory_space<vmem>> -> memref<128x64xf32, #tpu.memory_space<vmem>>
        tpu.enqueue_dma source(%dma_start3A_543 : memref<128x64xf32, #tpu.memory_space<vmem>>) target(%dma_start3A_539 : memref<128x64xf32, #tpu.memory_space<hbm>>) target_semaphore(%dma_start3A_537 : memref<!tpu.dma_semaphore, #tpu.memory_space<semaphore_mem>>)
      } else {
      }
    }
    %scan3A_7 = arith.constant 25 : i32
    %dma_wait3A = arith.constant 4 : i32
    %dma_wait3A_8 = arith.constant 4 : i32
    %dma_wait3A_9 = arith.constant 0 : i32
    %dma_wait3A_10 = arith.constant 0 : i32
    %dma_wait3A_11 = tpu.memref_slice %arg6[%dma_wait3A, %dma_wait3A_9, %dma_wait3A_10] : memref<8x128x64xf32, #tpu.memory_space<vmem>> -> memref<1x128x64xf32, #tpu.memory_space<vmem>>
    %dma_wait3A_12 = tpu.memref_squeeze %dma_wait3A_11 : memref<1x128x64xf32, #tpu.memory_space<vmem>> -> memref<128x64xf32, #tpu.memory_space<vmem>>
    %dma_wait3A_13 = arith.constant 25088 : i32
    %dma_wait3A_14 = tpu.memref_slice %arg5[%dma_wait3A_13] : memref<25600xi32, #tpu.memory_space<vmem>> -> memref<128xi32, #tpu.memory_space<vmem>>
    %dma_wait3A_15 = arith.constant 0 : i32
    %dma_wait3A_16 = arith.constant 0 : i32
    %dma_wait3A_17 = tpu.memref_slice %arg2[%dma_wait3A_15, %dma_wait3A_16] : memref<1000000x64xf32, #tpu.memory_space<hbm>> -> memref<1000000x64xf32, #tpu.memory_space<hbm>>
    %dma_wait3A_18 = tpu.memref_slice %arg7[%dma_wait3A_8] : memref<8x!tpu.dma_semaphore, #tpu.memory_space<semaphore_mem>> -> memref<1x!tpu.dma_semaphore, #tpu.memory_space<semaphore_mem>>
    %dma_wait3A_19 = tpu.memref_squeeze %dma_wait3A_18 : memref<1x!tpu.dma_semaphore, #tpu.memory_space<semaphore_mem>> -> memref<!tpu.dma_semaphore, #tpu.memory_space<semaphore_mem>>
    tpu.wait_indirect_dma semaphore(%dma_wait3A_19 : memref<!tpu.dma_semaphore, #tpu.memory_space<semaphore_mem>>) src(%dma_wait3A_17 : memref<1000000x64xf32, #tpu.memory_space<hbm>>) dst(%dma_wait3A_12 : memref<128x64xf32, #tpu.memory_space<vmem>>)
    %add3A_20 = arith.constant 25088 : i32
    %add3A_21 = arith.addi %mul3A_2, %add3A_20 : i32
    %dma_start3A = arith.constant 4 : i32
    %dma_start3A_22 = arith.constant 4 : i32
    %dma_start3A_23 = arith.constant 0 : i32
    %dma_start3A_24 = arith.constant 0 : i32
    %dma_start3A_25 = tpu.memref_slice %arg6[%dma_start3A, %dma_start3A_23, %dma_start3A_24] : memref<8x128x64xf32, #tpu.memory_space<vmem>> -> memref<1x128x64xf32, #tpu.memory_space<vmem>>
    %dma_start3A_26 = tpu.memref_squeeze %dma_start3A_25 : memref<1x128x64xf32, #tpu.memory_space<vmem>> -> memref<128x64xf32, #tpu.memory_space<vmem>>
    %dma_start3A_27 = arith.constant 0 : i32
    %dma_start3A_28 = tpu.memref_slice %arg4[%add3A_21, %dma_start3A_27] : memref<819200x64xf32, #tpu.memory_space<hbm>> -> memref<128x64xf32, #tpu.memory_space<hbm>>
    %dma_start3A_29 = tpu.memref_slice %arg8[%dma_start3A_22] : memref<8x!tpu.dma_semaphore, #tpu.memory_space<semaphore_mem>> -> memref<1x!tpu.dma_semaphore, #tpu.memory_space<semaphore_mem>>
    %dma_start3A_30 = tpu.memref_squeeze %dma_start3A_29 : memref<1x!tpu.dma_semaphore, #tpu.memory_space<semaphore_mem>> -> memref<!tpu.dma_semaphore, #tpu.memory_space<semaphore_mem>>
    %dma_start3A_31 = arith.constant 0 : i32
    %dma_start3A_32 = tpu.memref_slice %arg4[%add3A_21, %dma_start3A_31] : memref<819200x64xf32, #tpu.memory_space<hbm>> -> memref<128x64xf32, #tpu.memory_space<hbm>>
    %dma_start3A_33 = arith.constant 0 : i32
    %dma_start3A_34 = arith.constant 0 : i32
    %dma_start3A_35 = tpu.memref_slice %arg6[%dma_start3A, %dma_start3A_33, %dma_start3A_34] : memref<8x128x64xf32, #tpu.memory_space<vmem>> -> memref<1x128x64xf32, #tpu.memory_space<vmem>>
    %dma_start3A_36 = tpu.memref_squeeze %dma_start3A_35 : memref<1x128x64xf32, #tpu.memory_space<vmem>> -> memref<128x64xf32, #tpu.memory_space<vmem>>
    tpu.enqueue_dma source(%dma_start3A_36 : memref<128x64xf32, #tpu.memory_space<vmem>>) target(%dma_start3A_32 : memref<128x64xf32, #tpu.memory_space<hbm>>) target_semaphore(%dma_start3A_30 : memref<!tpu.dma_semaphore, #tpu.memory_space<semaphore_mem>>)
    %dma_wait3A_37 = arith.constant 5 : i32
    %dma_wait3A_38 = arith.constant 5 : i32
    %dma_wait3A_39 = arith.constant 0 : i32
    %dma_wait3A_40 = arith.constant 0 : i32
    %dma_wait3A_41 = tpu.memref_slice %arg6[%dma_wait3A_37, %dma_wait3A_39, %dma_wait3A_40] : memref<8x128x64xf32, #tpu.memory_space<vmem>> -> memref<1x128x64xf32, #tpu.memory_space<vmem>>
    %dma_wait3A_42 = tpu.memref_squeeze %dma_wait3A_41 : memref<1x128x64xf32, #tpu.memory_space<vmem>> -> memref<128x64xf32, #tpu.memory_space<vmem>>
    %dma_wait3A_43 = arith.constant 25216 : i32
    %dma_wait3A_44 = tpu.memref_slice %arg5[%dma_wait3A_43] : memref<25600xi32, #tpu.memory_space<vmem>> -> memref<128xi32, #tpu.memory_space<vmem>>
    %dma_wait3A_45 = arith.constant 0 : i32
    %dma_wait3A_46 = arith.constant 0 : i32
    %dma_wait3A_47 = tpu.memref_slice %arg2[%dma_wait3A_45, %dma_wait3A_46] : memref<1000000x64xf32, #tpu.memory_space<hbm>> -> memref<1000000x64xf32, #tpu.memory_space<hbm>>
    %dma_wait3A_48 = tpu.memref_slice %arg7[%dma_wait3A_38] : memref<8x!tpu.dma_semaphore, #tpu.memory_space<semaphore_mem>> -> memref<1x!tpu.dma_semaphore, #tpu.memory_space<semaphore_mem>>
    %dma_wait3A_49 = tpu.memref_squeeze %dma_wait3A_48 : memref<1x!tpu.dma_semaphore, #tpu.memory_space<semaphore_mem>> -> memref<!tpu.dma_semaphore, #tpu.memory_space<semaphore_mem>>
    tpu.wait_indirect_dma semaphore(%dma_wait3A_49 : memref<!tpu.dma_semaphore, #tpu.memory_space<semaphore_mem>>) src(%dma_wait3A_47 : memref<1000000x64xf32, #tpu.memory_space<hbm>>) dst(%dma_wait3A_42 : memref<128x64xf32, #tpu.memory_space<vmem>>)
    %add3A_50 = arith.constant 25216 : i32
    %add3A_51 = arith.addi %mul3A_2, %add3A_50 : i32
    %dma_start3A_52 = arith.constant 5 : i32
    %dma_start3A_53 = arith.constant 5 : i32
    %dma_start3A_54 = arith.constant 0 : i32
    %dma_start3A_55 = arith.constant 0 : i32
    %dma_start3A_56 = tpu.memref_slice %arg6[%dma_start3A_52, %dma_start3A_54, %dma_start3A_55] : memref<8x128x64xf32, #tpu.memory_space<vmem>> -> memref<1x128x64xf32, #tpu.memory_space<vmem>>
    %dma_start3A_57 = tpu.memref_squeeze %dma_start3A_56 : memref<1x128x64xf32, #tpu.memory_space<vmem>> -> memref<128x64xf32, #tpu.memory_space<vmem>>
    %dma_start3A_58 = arith.constant 0 : i32
    %dma_start3A_59 = tpu.memref_slice %arg4[%add3A_51, %dma_start3A_58] : memref<819200x64xf32, #tpu.memory_space<hbm>> -> memref<128x64xf32, #tpu.memory_space<hbm>>
    %dma_start3A_60 = tpu.memref_slice %arg8[%dma_start3A_53] : memref<8x!tpu.dma_semaphore, #tpu.memory_space<semaphore_mem>> -> memref<1x!tpu.dma_semaphore, #tpu.memory_space<semaphore_mem>>
    %dma_start3A_61 = tpu.memref_squeeze %dma_start3A_60 : memref<1x!tpu.dma_semaphore, #tpu.memory_space<semaphore_mem>> -> memref<!tpu.dma_semaphore, #tpu.memory_space<semaphore_mem>>
    %dma_start3A_62 = arith.constant 0 : i32
    %dma_start3A_63 = tpu.memref_slice %arg4[%add3A_51, %dma_start3A_62] : memref<819200x64xf32, #tpu.memory_space<hbm>> -> memref<128x64xf32, #tpu.memory_space<hbm>>
    %dma_start3A_64 = arith.constant 0 : i32
    %dma_start3A_65 = arith.constant 0 : i32
    %dma_start3A_66 = tpu.memref_slice %arg6[%dma_start3A_52, %dma_start3A_64, %dma_start3A_65] : memref<8x128x64xf32, #tpu.memory_space<vmem>> -> memref<1x128x64xf32, #tpu.memory_space<vmem>>
    %dma_start3A_67 = tpu.memref_squeeze %dma_start3A_66 : memref<1x128x64xf32, #tpu.memory_space<vmem>> -> memref<128x64xf32, #tpu.memory_space<vmem>>
    tpu.enqueue_dma source(%dma_start3A_67 : memref<128x64xf32, #tpu.memory_space<vmem>>) target(%dma_start3A_63 : memref<128x64xf32, #tpu.memory_space<hbm>>) target_semaphore(%dma_start3A_61 : memref<!tpu.dma_semaphore, #tpu.memory_space<semaphore_mem>>)
    %dma_wait3A_68 = arith.constant 6 : i32
    %dma_wait3A_69 = arith.constant 6 : i32
    %dma_wait3A_70 = arith.constant 0 : i32
    %dma_wait3A_71 = arith.constant 0 : i32
    %dma_wait3A_72 = tpu.memref_slice %arg6[%dma_wait3A_68, %dma_wait3A_70, %dma_wait3A_71] : memref<8x128x64xf32, #tpu.memory_space<vmem>> -> memref<1x128x64xf32, #tpu.memory_space<vmem>>
    %dma_wait3A_73 = tpu.memref_squeeze %dma_wait3A_72 : memref<1x128x64xf32, #tpu.memory_space<vmem>> -> memref<128x64xf32, #tpu.memory_space<vmem>>
    %dma_wait3A_74 = arith.constant 25344 : i32
    %dma_wait3A_75 = tpu.memref_slice %arg5[%dma_wait3A_74] : memref<25600xi32, #tpu.memory_space<vmem>> -> memref<128xi32, #tpu.memory_space<vmem>>
    %dma_wait3A_76 = arith.constant 0 : i32
    %dma_wait3A_77 = arith.constant 0 : i32
    %dma_wait3A_78 = tpu.memref_slice %arg2[%dma_wait3A_76, %dma_wait3A_77] : memref<1000000x64xf32, #tpu.memory_space<hbm>> -> memref<1000000x64xf32, #tpu.memory_space<hbm>>
    %dma_wait3A_79 = tpu.memref_slice %arg7[%dma_wait3A_69] : memref<8x!tpu.dma_semaphore, #tpu.memory_space<semaphore_mem>> -> memref<1x!tpu.dma_semaphore, #tpu.memory_space<semaphore_mem>>
    %dma_wait3A_80 = tpu.memref_squeeze %dma_wait3A_79 : memref<1x!tpu.dma_semaphore, #tpu.memory_space<semaphore_mem>> -> memref<!tpu.dma_semaphore, #tpu.memory_space<semaphore_mem>>
    tpu.wait_indirect_dma semaphore(%dma_wait3A_80 : memref<!tpu.dma_semaphore, #tpu.memory_space<semaphore_mem>>) src(%dma_wait3A_78 : memref<1000000x64xf32, #tpu.memory_space<hbm>>) dst(%dma_wait3A_73 : memref<128x64xf32, #tpu.memory_space<vmem>>)
    %add3A_81 = arith.constant 25344 : i32
    %add3A_82 = arith.addi %mul3A_2, %add3A_81 : i32
    %dma_start3A_83 = arith.constant 6 : i32
    %dma_start3A_84 = arith.constant 6 : i32
    %dma_start3A_85 = arith.constant 0 : i32
    %dma_start3A_86 = arith.constant 0 : i32
    %dma_start3A_87 = tpu.memref_slice %arg6[%dma_start3A_83, %dma_start3A_85, %dma_start3A_86] : memref<8x128x64xf32, #tpu.memory_space<vmem>> -> memref<1x128x64xf32, #tpu.memory_space<vmem>>
    %dma_start3A_88 = tpu.memref_squeeze %dma_start3A_87 : memref<1x128x64xf32, #tpu.memory_space<vmem>> -> memref<128x64xf32, #tpu.memory_space<vmem>>
    %dma_start3A_89 = arith.constant 0 : i32
    %dma_start3A_90 = tpu.memref_slice %arg4[%add3A_82, %dma_start3A_89] : memref<819200x64xf32, #tpu.memory_space<hbm>> -> memref<128x64xf32, #tpu.memory_space<hbm>>
    %dma_start3A_91 = tpu.memref_slice %arg8[%dma_start3A_84] : memref<8x!tpu.dma_semaphore, #tpu.memory_space<semaphore_mem>> -> memref<1x!tpu.dma_semaphore, #tpu.memory_space<semaphore_mem>>
    %dma_start3A_92 = tpu.memref_squeeze %dma_start3A_91 : memref<1x!tpu.dma_semaphore, #tpu.memory_space<semaphore_mem>> -> memref<!tpu.dma_semaphore, #tpu.memory_space<semaphore_mem>>
    %dma_start3A_93 = arith.constant 0 : i32
    %dma_start3A_94 = tpu.memref_slice %arg4[%add3A_82, %dma_start3A_93] : memref<819200x64xf32, #tpu.memory_space<hbm>> -> memref<128x64xf32, #tpu.memory_space<hbm>>
    %dma_start3A_95 = arith.constant 0 : i32
    %dma_start3A_96 = arith.constant 0 : i32
    %dma_start3A_97 = tpu.memref_slice %arg6[%dma_start3A_83, %dma_start3A_95, %dma_start3A_96] : memref<8x128x64xf32, #tpu.memory_space<vmem>> -> memref<1x128x64xf32, #tpu.memory_space<vmem>>
    %dma_start3A_98 = tpu.memref_squeeze %dma_start3A_97 : memref<1x128x64xf32, #tpu.memory_space<vmem>> -> memref<128x64xf32, #tpu.memory_space<vmem>>
    tpu.enqueue_dma source(%dma_start3A_98 : memref<128x64xf32, #tpu.memory_space<vmem>>) target(%dma_start3A_94 : memref<128x64xf32, #tpu.memory_space<hbm>>) target_semaphore(%dma_start3A_92 : memref<!tpu.dma_semaphore, #tpu.memory_space<semaphore_mem>>)
    %dma_wait3A_99 = arith.constant 7 : i32
    %dma_wait3A_100 = arith.constant 7 : i32
    %dma_wait3A_101 = arith.constant 0 : i32
    %dma_wait3A_102 = arith.constant 0 : i32
    %dma_wait3A_103 = tpu.memref_slice %arg6[%dma_wait3A_99, %dma_wait3A_101, %dma_wait3A_102] : memref<8x128x64xf32, #tpu.memory_space<vmem>> -> memref<1x128x64xf32, #tpu.memory_space<vmem>>
    %dma_wait3A_104 = tpu.memref_squeeze %dma_wait3A_103 : memref<1x128x64xf32, #tpu.memory_space<vmem>> -> memref<128x64xf32, #tpu.memory_space<vmem>>
    %dma_wait3A_105 = arith.constant 25472 : i32
    %dma_wait3A_106 = tpu.memref_slice %arg5[%dma_wait3A_105] : memref<25600xi32, #tpu.memory_space<vmem>> -> memref<128xi32, #tpu.memory_space<vmem>>
    %dma_wait3A_107 = arith.constant 0 : i32
    %dma_wait3A_108 = arith.constant 0 : i32
    %dma_wait3A_109 = tpu.memref_slice %arg2[%dma_wait3A_107, %dma_wait3A_108] : memref<1000000x64xf32, #tpu.memory_space<hbm>> -> memref<1000000x64xf32, #tpu.memory_space<hbm>>
    %dma_wait3A_110 = tpu.memref_slice %arg7[%dma_wait3A_100] : memref<8x!tpu.dma_semaphore, #tpu.memory_space<semaphore_mem>> -> memref<1x!tpu.dma_semaphore, #tpu.memory_space<semaphore_mem>>
    %dma_wait3A_111 = tpu.memref_squeeze %dma_wait3A_110 : memref<1x!tpu.dma_semaphore, #tpu.memory_space<semaphore_mem>> -> memref<!tpu.dma_semaphore, #tpu.memory_space<semaphore_mem>>
    tpu.wait_indirect_dma semaphore(%dma_wait3A_111 : memref<!tpu.dma_semaphore, #tpu.memory_space<semaphore_mem>>) src(%dma_wait3A_109 : memref<1000000x64xf32, #tpu.memory_space<hbm>>) dst(%dma_wait3A_104 : memref<128x64xf32, #tpu.memory_space<vmem>>)
    %add3A_112 = arith.constant 25472 : i32
    %add3A_113 = arith.addi %mul3A_2, %add3A_112 : i32
    %dma_start3A_114 = arith.constant 7 : i32
    %dma_start3A_115 = arith.constant 7 : i32
    %dma_start3A_116 = arith.constant 0 : i32
    %dma_start3A_117 = arith.constant 0 : i32
    %dma_start3A_118 = tpu.memref_slice %arg6[%dma_start3A_114, %dma_start3A_116, %dma_start3A_117] : memref<8x128x64xf32, #tpu.memory_space<vmem>> -> memref<1x128x64xf32, #tpu.memory_space<vmem>>
    %dma_start3A_119 = tpu.memref_squeeze %dma_start3A_118 : memref<1x128x64xf32, #tpu.memory_space<vmem>> -> memref<128x64xf32, #tpu.memory_space<vmem>>
    %dma_start3A_120 = arith.constant 0 : i32
    %dma_start3A_121 = tpu.memref_slice %arg4[%add3A_113, %dma_start3A_120] : memref<819200x64xf32, #tpu.memory_space<hbm>> -> memref<128x64xf32, #tpu.memory_space<hbm>>
    %dma_start3A_122 = tpu.memref_slice %arg8[%dma_start3A_115] : memref<8x!tpu.dma_semaphore, #tpu.memory_space<semaphore_mem>> -> memref<1x!tpu.dma_semaphore, #tpu.memory_space<semaphore_mem>>
    %dma_start3A_123 = tpu.memref_squeeze %dma_start3A_122 : memref<1x!tpu.dma_semaphore, #tpu.memory_space<semaphore_mem>> -> memref<!tpu.dma_semaphore, #tpu.memory_space<semaphore_mem>>
    %dma_start3A_124 = arith.constant 0 : i32
    %dma_start3A_125 = tpu.memref_slice %arg4[%add3A_113, %dma_start3A_124] : memref<819200x64xf32, #tpu.memory_space<hbm>> -> memref<128x64xf32, #tpu.memory_space<hbm>>
    %dma_start3A_126 = arith.constant 0 : i32
    %dma_start3A_127 = arith.constant 0 : i32
    %dma_start3A_128 = tpu.memref_slice %arg6[%dma_start3A_114, %dma_start3A_126, %dma_start3A_127] : memref<8x128x64xf32, #tpu.memory_space<vmem>> -> memref<1x128x64xf32, #tpu.memory_space<vmem>>
    %dma_start3A_129 = tpu.memref_squeeze %dma_start3A_128 : memref<1x128x64xf32, #tpu.memory_space<vmem>> -> memref<128x64xf32, #tpu.memory_space<vmem>>
    tpu.enqueue_dma source(%dma_start3A_129 : memref<128x64xf32, #tpu.memory_space<vmem>>) target(%dma_start3A_125 : memref<128x64xf32, #tpu.memory_space<hbm>>) target_semaphore(%dma_start3A_123 : memref<!tpu.dma_semaphore, #tpu.memory_space<semaphore_mem>>)
    %add3A_130 = arith.constant 24576 : i32
    %add3A_131 = arith.addi %mul3A_2, %add3A_130 : i32
    %dma_wait3A_132 = arith.constant 0 : i32
    %dma_wait3A_133 = arith.constant 0 : i32
    %dma_wait3A_134 = arith.constant 0 : i32
    %dma_wait3A_135 = arith.constant 0 : i32
    %dma_wait3A_136 = tpu.memref_slice %arg6[%dma_wait3A_132, %dma_wait3A_134, %dma_wait3A_135] : memref<8x128x64xf32, #tpu.memory_space<vmem>> -> memref<1x128x64xf32, #tpu.memory_space<vmem>>
    %dma_wait3A_137 = tpu.memref_squeeze %dma_wait3A_136 : memref<1x128x64xf32, #tpu.memory_space<vmem>> -> memref<128x64xf32, #tpu.memory_space<vmem>>
    %dma_wait3A_138 = arith.constant 0 : i32
    %dma_wait3A_139 = tpu.memref_slice %arg4[%add3A_131, %dma_wait3A_138] : memref<819200x64xf32, #tpu.memory_space<hbm>> -> memref<128x64xf32, #tpu.memory_space<hbm>>
    %dma_wait3A_140 = tpu.memref_slice %arg8[%dma_wait3A_133] : memref<8x!tpu.dma_semaphore, #tpu.memory_space<semaphore_mem>> -> memref<1x!tpu.dma_semaphore, #tpu.memory_space<semaphore_mem>>
    %dma_wait3A_141 = tpu.memref_squeeze %dma_wait3A_140 : memref<1x!tpu.dma_semaphore, #tpu.memory_space<semaphore_mem>> -> memref<!tpu.dma_semaphore, #tpu.memory_space<semaphore_mem>>
    %dma_wait3A_142 = arith.constant 0 : i32
    %dma_wait3A_143 = tpu.memref_slice %arg4[%add3A_131, %dma_wait3A_142] : memref<819200x64xf32, #tpu.memory_space<hbm>> -> memref<128x64xf32, #tpu.memory_space<hbm>>
    %dma_wait3A_144 = arith.constant 0 : i32
    %dma_wait3A_145 = arith.constant 0 : i32
    %dma_wait3A_146 = tpu.memref_slice %arg6[%dma_wait3A_132, %dma_wait3A_144, %dma_wait3A_145] : memref<8x128x64xf32, #tpu.memory_space<vmem>> -> memref<1x128x64xf32, #tpu.memory_space<vmem>>
    %dma_wait3A_147 = tpu.memref_squeeze %dma_wait3A_146 : memref<1x128x64xf32, #tpu.memory_space<vmem>> -> memref<128x64xf32, #tpu.memory_space<vmem>>
    tpu.wait_dma2 semaphore(%dma_wait3A_141 : memref<!tpu.dma_semaphore, #tpu.memory_space<semaphore_mem>>) src(%dma_wait3A_147 : memref<128x64xf32, #tpu.memory_space<vmem>>) dst(%dma_wait3A_143 : memref<128x64xf32, #tpu.memory_space<hbm>>)
    %add3A_148 = arith.constant 24704 : i32
    %add3A_149 = arith.addi %mul3A_2, %add3A_148 : i32
    %dma_wait3A_150 = arith.constant 1 : i32
    %dma_wait3A_151 = arith.constant 1 : i32
    %dma_wait3A_152 = arith.constant 0 : i32
    %dma_wait3A_153 = arith.constant 0 : i32
    %dma_wait3A_154 = tpu.memref_slice %arg6[%dma_wait3A_150, %dma_wait3A_152, %dma_wait3A_153] : memref<8x128x64xf32, #tpu.memory_space<vmem>> -> memref<1x128x64xf32, #tpu.memory_space<vmem>>
    %dma_wait3A_155 = tpu.memref_squeeze %dma_wait3A_154 : memref<1x128x64xf32, #tpu.memory_space<vmem>> -> memref<128x64xf32, #tpu.memory_space<vmem>>
    %dma_wait3A_156 = arith.constant 0 : i32
    %dma_wait3A_157 = tpu.memref_slice %arg4[%add3A_149, %dma_wait3A_156] : memref<819200x64xf32, #tpu.memory_space<hbm>> -> memref<128x64xf32, #tpu.memory_space<hbm>>
    %dma_wait3A_158 = tpu.memref_slice %arg8[%dma_wait3A_151] : memref<8x!tpu.dma_semaphore, #tpu.memory_space<semaphore_mem>> -> memref<1x!tpu.dma_semaphore, #tpu.memory_space<semaphore_mem>>
    %dma_wait3A_159 = tpu.memref_squeeze %dma_wait3A_158 : memref<1x!tpu.dma_semaphore, #tpu.memory_space<semaphore_mem>> -> memref<!tpu.dma_semaphore, #tpu.memory_space<semaphore_mem>>
    %dma_wait3A_160 = arith.constant 0 : i32
    %dma_wait3A_161 = tpu.memref_slice %arg4[%add3A_149, %dma_wait3A_160] : memref<819200x64xf32, #tpu.memory_space<hbm>> -> memref<128x64xf32, #tpu.memory_space<hbm>>
    %dma_wait3A_162 = arith.constant 0 : i32
    %dma_wait3A_163 = arith.constant 0 : i32
    %dma_wait3A_164 = tpu.memref_slice %arg6[%dma_wait3A_150, %dma_wait3A_162, %dma_wait3A_163] : memref<8x128x64xf32, #tpu.memory_space<vmem>> -> memref<1x128x64xf32, #tpu.memory_space<vmem>>
    %dma_wait3A_165 = tpu.memref_squeeze %dma_wait3A_164 : memref<1x128x64xf32, #tpu.memory_space<vmem>> -> memref<128x64xf32, #tpu.memory_space<vmem>>
    tpu.wait_dma2 semaphore(%dma_wait3A_159 : memref<!tpu.dma_semaphore, #tpu.memory_space<semaphore_mem>>) src(%dma_wait3A_165 : memref<128x64xf32, #tpu.memory_space<vmem>>) dst(%dma_wait3A_161 : memref<128x64xf32, #tpu.memory_space<hbm>>)
    %add3A_166 = arith.constant 24832 : i32
    %add3A_167 = arith.addi %mul3A_2, %add3A_166 : i32
    %dma_wait3A_168 = arith.constant 2 : i32
    %dma_wait3A_169 = arith.constant 2 : i32
    %dma_wait3A_170 = arith.constant 0 : i32
    %dma_wait3A_171 = arith.constant 0 : i32
    %dma_wait3A_172 = tpu.memref_slice %arg6[%dma_wait3A_168, %dma_wait3A_170, %dma_wait3A_171] : memref<8x128x64xf32, #tpu.memory_space<vmem>> -> memref<1x128x64xf32, #tpu.memory_space<vmem>>
    %dma_wait3A_173 = tpu.memref_squeeze %dma_wait3A_172 : memref<1x128x64xf32, #tpu.memory_space<vmem>> -> memref<128x64xf32, #tpu.memory_space<vmem>>
    %dma_wait3A_174 = arith.constant 0 : i32
    %dma_wait3A_175 = tpu.memref_slice %arg4[%add3A_167, %dma_wait3A_174] : memref<819200x64xf32, #tpu.memory_space<hbm>> -> memref<128x64xf32, #tpu.memory_space<hbm>>
    %dma_wait3A_176 = tpu.memref_slice %arg8[%dma_wait3A_169] : memref<8x!tpu.dma_semaphore, #tpu.memory_space<semaphore_mem>> -> memref<1x!tpu.dma_semaphore, #tpu.memory_space<semaphore_mem>>
    %dma_wait3A_177 = tpu.memref_squeeze %dma_wait3A_176 : memref<1x!tpu.dma_semaphore, #tpu.memory_space<semaphore_mem>> -> memref<!tpu.dma_semaphore, #tpu.memory_space<semaphore_mem>>
    %dma_wait3A_178 = arith.constant 0 : i32
    %dma_wait3A_179 = tpu.memref_slice %arg4[%add3A_167, %dma_wait3A_178] : memref<819200x64xf32, #tpu.memory_space<hbm>> -> memref<128x64xf32, #tpu.memory_space<hbm>>
    %dma_wait3A_180 = arith.constant 0 : i32
    %dma_wait3A_181 = arith.constant 0 : i32
    %dma_wait3A_182 = tpu.memref_slice %arg6[%dma_wait3A_168, %dma_wait3A_180, %dma_wait3A_181] : memref<8x128x64xf32, #tpu.memory_space<vmem>> -> memref<1x128x64xf32, #tpu.memory_space<vmem>>
    %dma_wait3A_183 = tpu.memref_squeeze %dma_wait3A_182 : memref<1x128x64xf32, #tpu.memory_space<vmem>> -> memref<128x64xf32, #tpu.memory_space<vmem>>
    tpu.wait_dma2 semaphore(%dma_wait3A_177 : memref<!tpu.dma_semaphore, #tpu.memory_space<semaphore_mem>>) src(%dma_wait3A_183 : memref<128x64xf32, #tpu.memory_space<vmem>>) dst(%dma_wait3A_179 : memref<128x64xf32, #tpu.memory_space<hbm>>)
    %add3A_184 = arith.constant 24960 : i32
    %add3A_185 = arith.addi %mul3A_2, %add3A_184 : i32
    %dma_wait3A_186 = arith.constant 3 : i32
    %dma_wait3A_187 = arith.constant 3 : i32
    %dma_wait3A_188 = arith.constant 0 : i32
    %dma_wait3A_189 = arith.constant 0 : i32
    %dma_wait3A_190 = tpu.memref_slice %arg6[%dma_wait3A_186, %dma_wait3A_188, %dma_wait3A_189] : memref<8x128x64xf32, #tpu.memory_space<vmem>> -> memref<1x128x64xf32, #tpu.memory_space<vmem>>
    %dma_wait3A_191 = tpu.memref_squeeze %dma_wait3A_190 : memref<1x128x64xf32, #tpu.memory_space<vmem>> -> memref<128x64xf32, #tpu.memory_space<vmem>>
    %dma_wait3A_192 = arith.constant 0 : i32
    %dma_wait3A_193 = tpu.memref_slice %arg4[%add3A_185, %dma_wait3A_192] : memref<819200x64xf32, #tpu.memory_space<hbm>> -> memref<128x64xf32, #tpu.memory_space<hbm>>
    %dma_wait3A_194 = tpu.memref_slice %arg8[%dma_wait3A_187] : memref<8x!tpu.dma_semaphore, #tpu.memory_space<semaphore_mem>> -> memref<1x!tpu.dma_semaphore, #tpu.memory_space<semaphore_mem>>
    %dma_wait3A_195 = tpu.memref_squeeze %dma_wait3A_194 : memref<1x!tpu.dma_semaphore, #tpu.memory_space<semaphore_mem>> -> memref<!tpu.dma_semaphore, #tpu.memory_space<semaphore_mem>>
    %dma_wait3A_196 = arith.constant 0 : i32
    %dma_wait3A_197 = tpu.memref_slice %arg4[%add3A_185, %dma_wait3A_196] : memref<819200x64xf32, #tpu.memory_space<hbm>> -> memref<128x64xf32, #tpu.memory_space<hbm>>
    %dma_wait3A_198 = arith.constant 0 : i32
    %dma_wait3A_199 = arith.constant 0 : i32
    %dma_wait3A_200 = tpu.memref_slice %arg6[%dma_wait3A_186, %dma_wait3A_198, %dma_wait3A_199] : memref<8x128x64xf32, #tpu.memory_space<vmem>> -> memref<1x128x64xf32, #tpu.memory_space<vmem>>
    %dma_wait3A_201 = tpu.memref_squeeze %dma_wait3A_200 : memref<1x128x64xf32, #tpu.memory_space<vmem>> -> memref<128x64xf32, #tpu.memory_space<vmem>>
    tpu.wait_dma2 semaphore(%dma_wait3A_195 : memref<!tpu.dma_semaphore, #tpu.memory_space<semaphore_mem>>) src(%dma_wait3A_201 : memref<128x64xf32, #tpu.memory_space<vmem>>) dst(%dma_wait3A_197 : memref<128x64xf32, #tpu.memory_space<hbm>>)
    %add3A_202 = arith.constant 25088 : i32
    %add3A_203 = arith.addi %mul3A_2, %add3A_202 : i32
    %dma_wait3A_204 = arith.constant 4 : i32
    %dma_wait3A_205 = arith.constant 4 : i32
    %dma_wait3A_206 = arith.constant 0 : i32
    %dma_wait3A_207 = arith.constant 0 : i32
    %dma_wait3A_208 = tpu.memref_slice %arg6[%dma_wait3A_204, %dma_wait3A_206, %dma_wait3A_207] : memref<8x128x64xf32, #tpu.memory_space<vmem>> -> memref<1x128x64xf32, #tpu.memory_space<vmem>>
    %dma_wait3A_209 = tpu.memref_squeeze %dma_wait3A_208 : memref<1x128x64xf32, #tpu.memory_space<vmem>> -> memref<128x64xf32, #tpu.memory_space<vmem>>
    %dma_wait3A_210 = arith.constant 0 : i32
    %dma_wait3A_211 = tpu.memref_slice %arg4[%add3A_203, %dma_wait3A_210] : memref<819200x64xf32, #tpu.memory_space<hbm>> -> memref<128x64xf32, #tpu.memory_space<hbm>>
    %dma_wait3A_212 = tpu.memref_slice %arg8[%dma_wait3A_205] : memref<8x!tpu.dma_semaphore, #tpu.memory_space<semaphore_mem>> -> memref<1x!tpu.dma_semaphore, #tpu.memory_space<semaphore_mem>>
    %dma_wait3A_213 = tpu.memref_squeeze %dma_wait3A_212 : memref<1x!tpu.dma_semaphore, #tpu.memory_space<semaphore_mem>> -> memref<!tpu.dma_semaphore, #tpu.memory_space<semaphore_mem>>
    %dma_wait3A_214 = arith.constant 0 : i32
    %dma_wait3A_215 = tpu.memref_slice %arg4[%add3A_203, %dma_wait3A_214] : memref<819200x64xf32, #tpu.memory_space<hbm>> -> memref<128x64xf32, #tpu.memory_space<hbm>>
    %dma_wait3A_216 = arith.constant 0 : i32
    %dma_wait3A_217 = arith.constant 0 : i32
    %dma_wait3A_218 = tpu.memref_slice %arg6[%dma_wait3A_204, %dma_wait3A_216, %dma_wait3A_217] : memref<8x128x64xf32, #tpu.memory_space<vmem>> -> memref<1x128x64xf32, #tpu.memory_space<vmem>>
    %dma_wait3A_219 = tpu.memref_squeeze %dma_wait3A_218 : memref<1x128x64xf32, #tpu.memory_space<vmem>> -> memref<128x64xf32, #tpu.memory_space<vmem>>
    tpu.wait_dma2 semaphore(%dma_wait3A_213 : memref<!tpu.dma_semaphore, #tpu.memory_space<semaphore_mem>>) src(%dma_wait3A_219 : memref<128x64xf32, #tpu.memory_space<vmem>>) dst(%dma_wait3A_215 : memref<128x64xf32, #tpu.memory_space<hbm>>)
    %add3A_220 = arith.constant 25216 : i32
    %add3A_221 = arith.addi %mul3A_2, %add3A_220 : i32
    %dma_wait3A_222 = arith.constant 5 : i32
    %dma_wait3A_223 = arith.constant 5 : i32
    %dma_wait3A_224 = arith.constant 0 : i32
    %dma_wait3A_225 = arith.constant 0 : i32
    %dma_wait3A_226 = tpu.memref_slice %arg6[%dma_wait3A_222, %dma_wait3A_224, %dma_wait3A_225] : memref<8x128x64xf32, #tpu.memory_space<vmem>> -> memref<1x128x64xf32, #tpu.memory_space<vmem>>
    %dma_wait3A_227 = tpu.memref_squeeze %dma_wait3A_226 : memref<1x128x64xf32, #tpu.memory_space<vmem>> -> memref<128x64xf32, #tpu.memory_space<vmem>>
    %dma_wait3A_228 = arith.constant 0 : i32
    %dma_wait3A_229 = tpu.memref_slice %arg4[%add3A_221, %dma_wait3A_228] : memref<819200x64xf32, #tpu.memory_space<hbm>> -> memref<128x64xf32, #tpu.memory_space<hbm>>
    %dma_wait3A_230 = tpu.memref_slice %arg8[%dma_wait3A_223] : memref<8x!tpu.dma_semaphore, #tpu.memory_space<semaphore_mem>> -> memref<1x!tpu.dma_semaphore, #tpu.memory_space<semaphore_mem>>
    %dma_wait3A_231 = tpu.memref_squeeze %dma_wait3A_230 : memref<1x!tpu.dma_semaphore, #tpu.memory_space<semaphore_mem>> -> memref<!tpu.dma_semaphore, #tpu.memory_space<semaphore_mem>>
    %dma_wait3A_232 = arith.constant 0 : i32
    %dma_wait3A_233 = tpu.memref_slice %arg4[%add3A_221, %dma_wait3A_232] : memref<819200x64xf32, #tpu.memory_space<hbm>> -> memref<128x64xf32, #tpu.memory_space<hbm>>
    %dma_wait3A_234 = arith.constant 0 : i32
    %dma_wait3A_235 = arith.constant 0 : i32
    %dma_wait3A_236 = tpu.memref_slice %arg6[%dma_wait3A_222, %dma_wait3A_234, %dma_wait3A_235] : memref<8x128x64xf32, #tpu.memory_space<vmem>> -> memref<1x128x64xf32, #tpu.memory_space<vmem>>
    %dma_wait3A_237 = tpu.memref_squeeze %dma_wait3A_236 : memref<1x128x64xf32, #tpu.memory_space<vmem>> -> memref<128x64xf32, #tpu.memory_space<vmem>>
    tpu.wait_dma2 semaphore(%dma_wait3A_231 : memref<!tpu.dma_semaphore, #tpu.memory_space<semaphore_mem>>) src(%dma_wait3A_237 : memref<128x64xf32, #tpu.memory_space<vmem>>) dst(%dma_wait3A_233 : memref<128x64xf32, #tpu.memory_space<hbm>>)
    %add3A_238 = arith.constant 25344 : i32
    %add3A_239 = arith.addi %mul3A_2, %add3A_238 : i32
    %dma_wait3A_240 = arith.constant 6 : i32
    %dma_wait3A_241 = arith.constant 6 : i32
    %dma_wait3A_242 = arith.constant 0 : i32
    %dma_wait3A_243 = arith.constant 0 : i32
    %dma_wait3A_244 = tpu.memref_slice %arg6[%dma_wait3A_240, %dma_wait3A_242, %dma_wait3A_243] : memref<8x128x64xf32, #tpu.memory_space<vmem>> -> memref<1x128x64xf32, #tpu.memory_space<vmem>>
    %dma_wait3A_245 = tpu.memref_squeeze %dma_wait3A_244 : memref<1x128x64xf32, #tpu.memory_space<vmem>> -> memref<128x64xf32, #tpu.memory_space<vmem>>
    %dma_wait3A_246 = arith.constant 0 : i32
    %dma_wait3A_247 = tpu.memref_slice %arg4[%add3A_239, %dma_wait3A_246] : memref<819200x64xf32, #tpu.memory_space<hbm>> -> memref<128x64xf32, #tpu.memory_space<hbm>>
    %dma_wait3A_248 = tpu.memref_slice %arg8[%dma_wait3A_241] : memref<8x!tpu.dma_semaphore, #tpu.memory_space<semaphore_mem>> -> memref<1x!tpu.dma_semaphore, #tpu.memory_space<semaphore_mem>>
    %dma_wait3A_249 = tpu.memref_squeeze %dma_wait3A_248 : memref<1x!tpu.dma_semaphore, #tpu.memory_space<semaphore_mem>> -> memref<!tpu.dma_semaphore, #tpu.memory_space<semaphore_mem>>
    %dma_wait3A_250 = arith.constant 0 : i32
    %dma_wait3A_251 = tpu.memref_slice %arg4[%add3A_239, %dma_wait3A_250] : memref<819200x64xf32, #tpu.memory_space<hbm>> -> memref<128x64xf32, #tpu.memory_space<hbm>>
    %dma_wait3A_252 = arith.constant 0 : i32
    %dma_wait3A_253 = arith.constant 0 : i32
    %dma_wait3A_254 = tpu.memref_slice %arg6[%dma_wait3A_240, %dma_wait3A_252, %dma_wait3A_253] : memref<8x128x64xf32, #tpu.memory_space<vmem>> -> memref<1x128x64xf32, #tpu.memory_space<vmem>>
    %dma_wait3A_255 = tpu.memref_squeeze %dma_wait3A_254 : memref<1x128x64xf32, #tpu.memory_space<vmem>> -> memref<128x64xf32, #tpu.memory_space<vmem>>
    tpu.wait_dma2 semaphore(%dma_wait3A_249 : memref<!tpu.dma_semaphore, #tpu.memory_space<semaphore_mem>>) src(%dma_wait3A_255 : memref<128x64xf32, #tpu.memory_space<vmem>>) dst(%dma_wait3A_251 : memref<128x64xf32, #tpu.memory_space<hbm>>)
    %add3A_256 = arith.constant 25472 : i32
    %add3A_257 = arith.addi %mul3A_2, %add3A_256 : i32
    %dma_wait3A_258 = arith.constant 7 : i32
    %dma_wait3A_259 = arith.constant 7 : i32
    %dma_wait3A_260 = arith.constant 0 : i32
    %dma_wait3A_261 = arith.constant 0 : i32
    %dma_wait3A_262 = tpu.memref_slice %arg6[%dma_wait3A_258, %dma_wait3A_260, %dma_wait3A_261] : memref<8x128x64xf32, #tpu.memory_space<vmem>> -> memref<1x128x64xf32, #tpu.memory_space<vmem>>
    %dma_wait3A_263 = tpu.memref_squeeze %dma_wait3A_262 : memref<1x128x64xf32, #tpu.memory_space<vmem>> -> memref<128x64xf32, #tpu.memory_space<vmem>>
    %dma_wait3A_264 = arith.constant 0 : i32
    %dma_wait3A_265 = tpu.memref_slice %arg4[%add3A_257, %dma_wait3A_264] : memref<819200x64xf32, #tpu.memory_space<hbm>> -> memref<128x64xf32, #tpu.memory_space<hbm>>
    %dma_wait3A_266 = tpu.memref_slice %arg8[%dma_wait3A_259] : memref<8x!tpu.dma_semaphore, #tpu.memory_space<semaphore_mem>> -> memref<1x!tpu.dma_semaphore, #tpu.memory_space<semaphore_mem>>
    %dma_wait3A_267 = tpu.memref_squeeze %dma_wait3A_266 : memref<1x!tpu.dma_semaphore, #tpu.memory_space<semaphore_mem>> -> memref<!tpu.dma_semaphore, #tpu.memory_space<semaphore_mem>>
    %dma_wait3A_268 = arith.constant 0 : i32
    %dma_wait3A_269 = tpu.memref_slice %arg4[%add3A_257, %dma_wait3A_268] : memref<819200x64xf32, #tpu.memory_space<hbm>> -> memref<128x64xf32, #tpu.memory_space<hbm>>
    %dma_wait3A_270 = arith.constant 0 : i32
    %dma_wait3A_271 = arith.constant 0 : i32
    %dma_wait3A_272 = tpu.memref_slice %arg6[%dma_wait3A_258, %dma_wait3A_270, %dma_wait3A_271] : memref<8x128x64xf32, #tpu.memory_space<vmem>> -> memref<1x128x64xf32, #tpu.memory_space<vmem>>
    %dma_wait3A_273 = tpu.memref_squeeze %dma_wait3A_272 : memref<1x128x64xf32, #tpu.memory_space<vmem>> -> memref<128x64xf32, #tpu.memory_space<vmem>>
    tpu.wait_dma2 semaphore(%dma_wait3A_267 : memref<!tpu.dma_semaphore, #tpu.memory_space<semaphore_mem>>) src(%dma_wait3A_273 : memref<128x64xf32, #tpu.memory_space<vmem>>) dst(%dma_wait3A_269 : memref<128x64xf32, #tpu.memory_space<hbm>>)
    return
  }
}

</mosaic_0001>

<sc_bundles>
// kernel: kernel.3.cloned.1.call-start
scs
__scs_entry_jumppad:
0x0: {  	(pc) =	sbr.rel $0x88, $3  }
0x1: {  	(tag) =	ssettag $0x0;
	lr =	simm.s32 $0x1  }
0x2: {  	[smem:$0x3F9F] =	sst lr;
	_ =	strace $0xD0000000  }
0x3: {  	_ = 	snop  }
0x4: {  	_ = 	snop  }
0x5: {  	_ = 	snop  }
0x6: {  	_ = 	snop  }
0x7: {  	_ = 	snop  }
__scs_overlays_trampoline_lowered:
0x8: {  	[smem:$0x3FAE] =	sst s0  }
0x9: {  	[smem:$0x3FAF] =	sst s1  }
0xa: {  	[smem:$0x3FB0] =	sst s2  }
0xb: {  	[smem:$0x3FB1] =	sst s3  }
0xc: {  	[smem:$0x3FB2] =	sst s4  }
0xd: {  	[smem:$0x3FB3] =	sst s5  }
0xe: {  	[smem:$0x3FB4] =	sst s6  }
0xf: {  	[smem:$0x3FB5] =	sst s7  }
0x10: {  	[smem:$0x3FB6] =	sst s8  }
0x11: {  	[smem:$0x3FB7] =	sst s9;
	s0 =	simm.s32 @!p0 $0x0  }
0x12: {  	s1 =	sld [smem:$0x3F9D];
	s0 =	simm.s32 @p0 $0x1  }
0x13: {  	[smem:$0x3FB8] =	sst s0;
	s0 =	simm.s32 @!p1 $0x0  }
0x14: {  	s2 =	sld [smem:$0x3F9C];
	s0 =	simm.s32 @p1 $0x1  }
0x15: {  	[smem:$0x3FB9] =	sst s0;
	s0 =	simm.s32 @!p2 $0x0  }
0x16: {  	s3 =	sld [smem:$0x3FDB];
	s0 =	simm.s32 @p2 $0x1  }
0x17: {  	s4 =	simm.s32 $0x1BF5;
	[smem:$0x3FBB] =	sst s0  }
0x18: {  	s0 =	sld [smem:$0x3F9E];
	_ =	swait.ge [sflag:s4], $0x0  }
0x19: {  	s7 =	sld [smem:$0x3F9F]  }
0x1a: {  	s8 =	sadd.s32 $0xFFFFE003, lr  }
0x1b: {  	s9 =	sadd.s32 $0xFFFFFEF7, lr;
	s5 =	simm.s32 $0xFFFFFFFF;
	p2 =	slt.u32 s8, $0xFFFFF086  }
0x1c: {  	p1 =	slt.u32 s9, $0xF7A;
	s5 =	simm.s32 @!p2 $0x0  }
0x1d: {  	s5 =	simm.s32 @p1 $0x1;
	p0 =	seq.s32 s7, s2  }
0x1e: {  	s7 =	smul.u32 @!p0 $0xF7A, s2;
	p2 =	seq.s32 @!p0 s5, $0x0  }
0x1f: {  	s9 =	smul.u32 $0xF7A, s1;
	s8 =	simm.s32 @!p0 $0x1BF5;
	p2 =	por !p2, p0  }
0x20: {  	[sflag:s8] =	ssyncset.s32 @!p0 $0xFFFFF086;
	s6 =	sadd.s32 @!p0 s3, s7;
	s7 =	simm.s32 @!p0 $0x108  }
0x21: {  	s3 =	sadd.s32 s3, s9;
	s6 =	sadd.s32 @!p0 $0x88, s6;
	s7 =	simm.s32 @p2 $0x1082  }
0x22: {  	[simem:s7], [sflag:s8] =	dma.local @!p0 [hbm:s6], $0xF7A  }
0x23: {  	s9 =	sor.u32 $0xD0000000, s2;
	s6 =	simm.s32 $0x108;
	_ =	swait.ge @!p0 [sflag:s8], $0x0  }
0x24: {  	s3 =	sadd.s32 $0x88, s3;
	s6 =	simm.s32 @!p1 $0x1082;
	[sflag:s4] =	ssyncset.s32 $0xFFFFF086  }
0x25: {  	[simem:s6], [sflag:s4] =	dma.local [hbm:s3], $0xF7A  }
0x26: {  	[smem:$0x3F9F] =	sst s1;
	(tag) =	ssettag s2;
	_ =	strace s9  }
0x27: {  	s1 =	sld [smem:$0x3FAF]  }
0x28: {  	s2 =	sld [smem:$0x3FB0]  }
0x29: {  	s4 =	sld [smem:$0x3FB2]  }
0x2a: {  	p0 =	seq.s32 s5, $0x0;
	s5 =	sld [smem:$0x3FB3]  }
0x2b: {  	s6 =	sld [smem:$0x3FB4]  }
0x2c: {  	s7 =	sld [smem:$0x3FB5]  }
0x2d: {  	s3 =	simm.s32 $0x108;
	s8 =	sld [smem:$0x3FB6]  }
0x2e: {  	s3 =	simm.s32 @!p0 $0x1082;
	s9 =	sld [smem:$0x3FB7]  }
0x2f: {  	lr =	sadd.s32 s0, s3;
	s0 =	sld [smem:$0x3FAE]  }
0x30: {  	s3 =	sld [smem:$0x3FB1]  }
0x31: {  	[smem:$0x3FBA] =	sst s10  }
0x32: {  	s10 =	sld [smem:$0x3FB8];
	_ =	sdelay $0x3  }
0x33: {  	p0 =	seq.s32 s10, $0x1;
	s10 =	sld [smem:$0x3FBA];
	_ =	sdelay $0x3  }
0x34: {  	[smem:$0x3FBA] =	sst s10  }
0x35: {  	s10 =	sld [smem:$0x3FB9];
	_ =	sdelay $0x3  }
0x36: {  	p1 =	seq.s32 s10, $0x1;
	s10 =	sld [smem:$0x3FBA];
	_ =	sdelay $0x3  }
0x37: {  	[smem:$0x3FBA] =	sst s10  }
0x38: {  	s10 =	sld [smem:$0x3FBB]  }
0x39: {  	_ = 	snop;
	(pc) =	sbr.ind lr, $3  }
0x3a: {  	_ = 	snop  }
0x3b: {  	_ = 	snop  }
0x3c: {  	p2 =	seq.s32 s10, $0x1;
	s10 =	sld [smem:$0x3FBA]  }
0x3d: {  	_ =	shalt  }
0x3e: {  	_ =	shalt  }
0x3f: {  	_ =	shalt  }
0x40: {  	_ =	shalt  }
0x41: {  	_ =	shalt  }
0x42: {  	_ =	shalt  }
0x43: {  	_ =	shalt  }
0x44: {  	_ =	shalt  }
0x45: {  	_ =	shalt  }
0x46: {  	_ =	shalt  }
0x47: {  	_ =	shalt  }
0x48: {  	_ =	shalt  }
0x49: {  	_ =	shalt  }
0x4a: {  	_ =	shalt  }
0x4b: {  	_ =	shalt  }
0x4c: {  	_ =	shalt  }
0x4d: {  	_ =	shalt  }
0x4e: {  	_ =	shalt  }
0x4f: {  	_ =	shalt  }
0x50: {  	_ =	shalt  }
0x51: {  	_ =	shalt  }
0x52: {  	_ =	shalt  }
0x53: {  	_ =	shalt  }
0x54: {  	_ =	shalt  }
0x55: {  	_ =	shalt  }
0x56: {  	_ =	shalt  }
0x57: {  	_ =	shalt  }
0x58: {  	_ =	shalt  }
0x59: {  	_ =	shalt  }
0x5a: {  	_ =	shalt  }
0x5b: {  	_ =	shalt  }
0x5c: {  	_ =	shalt  }
0x5d: {  	_ =	shalt  }
0x5e: {  	_ =	shalt  }
0x5f: {  	_ =	shalt  }
0x60: {  	_ =	shalt  }
0x61: {  	_ =	shalt  }
0x62: {  	_ =	shalt  }
0x63: {  	_ =	shalt  }
0x64: {  	_ =	shalt  }
0x65: {  	_ =	shalt  }
0x66: {  	_ =	shalt  }
0x67: {  	_ =	shalt  }
0x68: {  	_ =	shalt  }
0x69: {  	_ =	shalt  }
0x6a: {  	_ =	shalt  }
0x6b: {  	_ =	shalt  }
0x6c: {  	_ =	shalt  }
0x6d: {  	_ =	shalt  }
0x6e: {  	_ =	shalt  }
0x6f: {  	_ =	shalt  }
0x70: {  	_ =	shalt  }
0x71: {  	_ =	shalt  }
0x72: {  	_ =	shalt  }
0x73: {  	_ =	shalt  }
0x74: {  	_ =	shalt  }
0x75: {  	_ =	shalt  }
0x76: {  	_ =	shalt  }
0x77: {  	_ =	shalt  }
0x78: {  	_ =	shalt  }
0x79: {  	_ =	shalt  }
0x7a: {  	_ =	shalt  }
0x7b: {  	_ =	shalt  }
0x7c: {  	_ =	shalt  }
0x7d: {  	_ =	shalt  }
0x7e: {  	_ =	shalt  }
0x7f: {  	_ =	shalt  }
0x80: {  	_ =	shalt  }
0x81: {  	_ =	shalt  }
0x82: {  	_ =	shalt  }
0x83: {  	_ =	shalt  }
0x84: {  	_ =	shalt  }
0x85: {  	_ =	shalt  }
0x86: {  	_ =	shalt  }
0x87: {  	_ =	shalt  }
.Lfunc_end0:
.L_simem_size_0:
called_computation.1_lowered:
.L_overlay_start_0:
0x88: {  	s2 =	sld [smem:$0x3FD9]  }
0x89: {  	s3 =	sld [smem:$0x3FFE];
	_ =	sdelay $0x1  }
0x8a: {  	s1 =	srdreg.scid  }
0x8b: {  	s0 =	sand.u32 $0x1, s1  }
0x8c: {  	s17 =	sshll.u32 s0, $0xA;
	s2 =	sadd.s32 s3, s2  }
0x8d: {  	s2 =	sadd.s32 s2, s17  }
0x8e: {  	[smem:$0x3FC6] =	sst s2  }
0x8f: {  	_ = 	snop  }
0x90: {  	s2 =	sld [smem:$0x3FD0];
	(tm) =	ssettm $0x1  }
0x91: {  	s18 =	sld [smem:$0x3FFB];
	_ =	sdelay $0x3  }
0x92: {  	_ =	strace s18  }
0x93: {  	s3 =	sld [smem:$0x3FFC];
	_ =	sdelay $0x3  }
0x94: {  	_ =	strace s3  }
0x95: {  	s3 =	sld [smem:$0x3FFD];
	_ =	sdelay $0x3  }
0x96: {  	_ =	strace s3  }
0x97: {  	_ =	strace $0x8FFFFFFF  }
0x98: {  	s19 =	sld [smem:$0x3FDB];
	_ =	sdelay $0x1  }
0x99: {  	s4 =	simm.s32 $_scs_section_size  }
0x9a: {  	s5 =	simm.s32 $_size__tile_overlayer_lowered;
	s6 =	simm.s32 $_tile_overlayer_lowered  }
0x9b: {  	s22 =	simm.s32 $0x1BFF;
	s21 =	sshll.u32 s6, $0x1;
	s3 =	sadd.s32 s4, s19  }
0x9c: {  	s7 =	simm.s32 $0x0;
	s20 =	sshll.u32 s5, $0x1;
	s5 =	sadd.s32 s21, s3  }
0x9d: {  	[timem:s7], [sflag:s22] =	dma.local [hbm:s5], s20  }
0x9e: {  	_ =	swait.ge [sflag:s22], s20  }
0x9f: {  	s4 =	ssub.s32 $0x0, s20;
	[sflag:s22] =	ssyncset.done $0x0  }
0xa0: {  	[sflag:s22] =	ssyncadd.s32 s4;
	_ =	sdelay $0x1  }
0xa1: {  	s23 =	simm.s32 $0x1B8B  }
0xa2: {  	_ =	swait.ge [sflag:s23], $0x1  }
0xa3: {  	[sflag:s23] =	ssyncset.done $0x0  }
0xa4: {  	s25 =	simm.s32 $0x1B8E;
	s24 =	sld [smem:$0x3FFE];
	[sflag:s23] =	ssyncadd.s32 $0xFFFFFFFF  }
0xa5: {  	s26 =	simm.s32 $execute0_lowered;
	[smem:$0x3FD2] =	sst s25  }
0xa6: {  	s5 =	sshll.u32 s26, $0x1;
	_ =	strace $0x80000046;
	[dreg:$0x1] =	wrdreg $0xFFFFFFFF  }
0xa7: {  	s28 =	simm.s32 $_size_execute0_lowered;
	s3 =	sadd.s32 s3, s5;
	[dreg:$0x0] =	wrdreg $0x0  }
0xa8: {  	s5 =	sshll.u32 s28, $0x1;
	[dreg:$0x2] =	wrdreg s3  }
0xa9: {  	[dreg:$0x3] =	wrdreg s5  }
0xaa: {  	[dreg:$0x4] =	wrdreg $0xC0  }
0xab: {  	_ =	task [dreg:s7], $0x5FFFF  }
0xac: {  	[dreg:$0x1] =	wrdreg $0xFFFFFFFF  }
0xad: {  	[dreg:$0x0] =	wrdreg $0x60  }
0xae: {  	[dreg:$0x2] =	wrdreg s24  }
0xaf: {  	[dreg:$0x3] =	wrdreg s2  }
0xb0: {  	[dreg:$0x4] =	wrdreg $0x9  }
0xb1: {  	_ =	task.clear_ibuf [dreg:s7], $0x5FFFF;
	_ =	strace $0x90000046  }
0xb2: {  	s29 =	simm.s32 $0x9;
	_ =	strace $0x80000048  }
0xb3: {  	_ =	swait.ge [sflag:s29], $0x1  }
0xb4: {  	[sflag:s29] =	ssyncadd.s32 $0xFFFFFFFF  }
0xb5: {  	_ =	strace $0x90000048  }
0xb6: {  	_ =	sfence  }
0xb7: {  	s30 =	sld [smem:$0x0];
	_ =	sdelay $0x2  }
0xb8: {  	s31 =	sshll.u32 s1, $0xD;
	s1 =	sshrl.u32 s1, $0x2  }
0xb9: {  	s3 =	sand.u32 $0x4000, s31;
	s1 =	sadd.s32 s1, s30  }
0xba: {  	s0 =	sor.u32 s3, s0;
	s1 =	sshll.u32 s1, $0x11  }
0xbb: {  	s0 =	sor.u32 s1, s0  }
0xbc: {  	s0 =	sadd.s32 $0x8F2B, s0  }
0xbd: {  	[sflag:s0] =	ssyncadd.remote.s32 $0x1  }
0xbe: {  	_ =	sfence.sel $0xFFFF  }
0xbf: {  	[dreg:$0x0] =	wrdreg $0xFFFFFFFF;
	(pc) =	sbr.abs _section_cstart, $3  }
0xc0: {  	[dreg:$0x1] =	wrdreg $0xFFFFFFFF  }
0xc1: {  	_ =	task.clear_ibuf [dreg:s7], $0x2FFFF;
	_ =	strace $0x9FFFFFFF  }
0xc2: {  	(tm) =	ssettm $0x7FFFFFFF  }
0xc3: {  	_ =	shalt  }
tec
execute0_lowered:
.L_overlay_start_1:
0x0: {  	(tag) =	ssettag $0x1  }
0x1: {  	s0 =	srdreg.scid  }
0x2: {  	s8 =	stileid.u32;
	s6 =	rddreg [dreg:$0x0]  }
0x3: {  	s2 =	rddreg [dreg:$0x1];
	s4 =	simm.s32 $0x0;
	s11 =	simm.s32 $0x6400  }
0x4: {  	s14 =	simm.s32 $0x8400;
	s15 =	simm.s32 $0xA400;
	s16 =	simm.s32 $0xC400  }
0x5: {  	s18 =	simm.s32 $0x80;
	s12 =	simm.s32 $0xE400;
	s20 =	simm.s32 $0x1  }
0x6: {  	s17 =	simm.s32 $0x10400;
	s22 =	simm.s32 $0x2;
	s19 =	simm.s32 $0x12400  }
0x7: {  	s24 =	simm.s32 $0x3;
	s23 =	simm.s32 $0x14400;
	s13 =	simm.s32 $0x0  }
0x8: {  	s0 =	sand.u32 $0x1, s0;
	s1 =	sshll.u32 s8, $0x1;
	s8 =	smul.u32 $0x320000, s8  }
0x9: {  	s1 =	sor.u32 s0, s1;
	s26 =	ssub.s32 $0x2, s0;
	s0 =	smul.u32 $0x190000, s0  }
0xa: {  	[smem:$0x7FF] =	sst s4;
	s5 =	sadd.s32 $0xF42E00, s6;
	s3 =	smul.u32 $0x6400, s1  }
0xb: {  	_ =	strace $0x80000047;
	s1 =	smul.u32 $0x190000, s1;
	s9 =	sshrl.u32 s26, $0x1  }
0xc: {  	s0 =	sadd.s32 s0, s8;
	s8 =	simm.s32 $0xD;
	s7 =	sshrl.u32 s3, $0x3  }
0xd: {  	s1 =	sshrl.u32 s1, $0x3;
	s0 =	sadd.s32 $0xFFFFC000, s0;
	s6 =	sadd.s32 s7, s6  }
0xe: {  	s1 =	sadd.s32 s2, s1;
	[dreg:$0x9] =	wrdreg s0;
	s6 =	sadd.s32 $0xA00, s6  }
0xf: {  	s7 =	ssub.s32 s26, s9;
	s28 =	sadd.s32 $0x31000, s1;
	[dreg:$0x3] =	wrdreg s6  }
.Ltmp0:
0x10: {  	s29 =	sadd.s32 $0x31400, s1;
	[dreg:$0x4] =	wrdreg s28;
	(pc) =	sbr.rel .LBB2_1-.Ltmp0, $4  }
0x11: {  	s26 =	simm.s32 $0x4;
	s30 =	sadd.s32 $0x31800, s1;
	[dreg:$0x5] =	wrdreg s29  }
0x12: {  	s0 =	simm.s32 $0xA;
	s1 =	sadd.s32 $0x31C00, s1;
	[dreg:$0x6] =	wrdreg s30  }
0x13: {  	s31 =	smax.u32 s7, $0x1;
	s7 =	simm.s32 $0xC;
	[dreg:$0x7] =	wrdreg s1  }
0x14: {  	[dreg:$0x8] =	wrdreg s31;
	s1 =	simm.s32 $0x9;
	s6 =	simm.s32 $0xB  }
.LBB2_6:
0x15: {  	s9 =	simm.s32 $0x5  }
0x16: {  	_ =	swait.ge [sflag:s9], $0x2000  }
0x17: {  	[sflag:s9] =	ssyncset.done $0x0  }
0x18: {  	s31 =	simm.s32 $0x6;
	s30 =	rddreg [dreg:$0x4];
	[sflag:s9] =	ssyncadd.s32 $0xFFFFE000  }
0x19: {  	[hbm4b:s30+s4] =	stream.linear.scatter [tilespmem:s12], [sflag:$0xD], $0x2000, $0x38;
	[tilespmem:$0x16400] =	vst v63  }
0x1a: {  	_ =	swait.ge [sflag:s31], $0x2000  }
0x1b: {  	[sflag:s31] =	ssyncset.done $0x0  }
0x1c: {  	s13 =	simm.s32 $0x7;
	s10 =	rddreg [dreg:$0x5];
	[sflag:s31] =	ssyncadd.s32 $0xFFFFE000  }
0x1d: {  	[hbm4b:s10+s4] =	stream.linear.scatter [tilespmem:s17], [sflag:$0xE], $0x2000, $0x38;
	[tilespmem:$0x16400] =	vst v63  }
0x1e: {  	_ =	swait.ge [sflag:s13], $0x2000  }
0x1f: {  	[sflag:s13] =	ssyncset.done $0x0  }
0x20: {  	s25 =	simm.s32 $0x8;
	s21 =	rddreg [dreg:$0x6];
	[sflag:s13] =	ssyncadd.s32 $0xFFFFE000  }
0x21: {  	[hbm4b:s21+s4] =	stream.linear.scatter [tilespmem:s19], [sflag:$0xF], $0x2000, $0x38;
	[tilespmem:$0x16400] =	vst v63  }
0x22: {  	_ =	swait.ge [sflag:s25], $0x2000  }
0x23: {  	[sflag:s25] =	ssyncset.done $0x0  }
0x24: {  	s28 =	rddreg [dreg:$0x7];
	[sflag:s25] =	ssyncadd.s32 $0xFFFFE000  }
0x25: {  	[hbm4b:s28+s4] =	stream.linear.scatter [tilespmem:s23], [sflag:$0x10], $0x2000, $0x38;
	[tilespmem:$0x16400] =	vst v63  }
0x26: {  	_ =	swait.ge [sflag:s1], $0x2000  }
0x27: {  	[sflag:s1] =	ssyncset.done $0x0  }
0x28: {  	[sflag:s1] =	ssyncadd.s32 $0xFFFFE000  }
0x29: {  	_ =	swait.ge [sflag:s0], $0x2000  }
0x2a: {  	[sflag:s0] =	ssyncset.done $0x0  }
0x2b: {  	[sflag:s0] =	ssyncadd.s32 $0xFFFFE000  }
0x2c: {  	_ =	swait.ge [sflag:s6], $0x2000  }
0x2d: {  	[sflag:s6] =	ssyncset.done $0x0  }
0x2e: {  	[sflag:s6] =	ssyncadd.s32 $0xFFFFE000  }
0x2f: {  	_ =	swait.ge [sflag:s7], $0x2000  }
0x30: {  	[sflag:s7] =	ssyncset.done $0x0  }
0x31: {  	[sflag:s7] =	ssyncadd.s32 $0xFFFFE000  }
0x32: {  	_ =	swait.ge [sflag:s8], $0x2000  }
0x33: {  	[sflag:s8] =	ssyncset.done $0x0  }
0x34: {  	s29 =	simm.s32 $0xE;
	[sflag:s8] =	ssyncadd.s32 $0xFFFFE000  }
0x35: {  	_ =	swait.ge [sflag:s29], $0x2000  }
0x36: {  	[sflag:s29] =	ssyncset.done $0x0  }
0x37: {  	s30 =	simm.s32 $0xF;
	[sflag:s29] =	ssyncadd.s32 $0xFFFFE000  }
0x38: {  	_ =	swait.ge [sflag:s30], $0x2000  }
0x39: {  	[sflag:s30] =	ssyncset.done $0x0  }
0x3a: {  	s10 =	simm.s32 $0x10;
	[sflag:s30] =	ssyncadd.s32 $0xFFFFE000  }
0x3b: {  	_ =	swait.ge [sflag:s10], $0x2000  }
0x3c: {  	s13 =	rddreg [dreg:$0xa]  }
0x3d: {  	s31 =	rddreg [dreg:$0x8];
	s13 =	sadd.s32 $0x1, s13  }
0x3e: {  	p0 =	sne.s32 s13, s31  }
.Ltmp1:
0x3f: {  	_ = 	snop;
	(pc) =	sbr.rel @!p0 .LBB2_7-.Ltmp1, $3  }
0x40: {  	_ =	sdelay $0x1  }
0x41: {  	[sflag:s10] =	ssyncset.done $0x0  }
0x42: {  	[sflag:s10] =	ssyncadd.s32 $0xFFFFE000  }
.LBB2_1:
0x43: {  	[dreg:$0xa] =	wrdreg s13  }
.Ltmp2:
0x44: {  	s9 =	rddreg [dreg:$0x3];
	s31 =	simm.s32 $0x11;
	(pc) =	sbr.rel .LBB2_2-.Ltmp2, $4  }
0x45: {  	[tilespmem:s4], [sflag:$0x11] =	stream.linear.gather [hbm4b:s9+s4], $0x6400, $0x38;
	[tilespmem:$0x16400] =	vst v63  }
0x46: {  	_ =	swait.ge [sflag:s31], $0x6400  }
0x47: {  	s21 =	simm.s32 $0x0;
	[sflag:s31] =	ssyncset.done $0x0  }
0x48: {  	s9 =	simm.s32 $0x0;
	s13 =	rddreg [dreg:$0x9];
	[sflag:s31] =	ssyncadd.s32 $0xFFFF9C00  }
.LBB2_4:
0x49: {  	_ =	swait.ge [sflag:s1], $0x2000  }
0x4a: {  	[sflag:s1] =	ssyncset.done $0x0  }
0x4b: {  	s10 =	sshra.s32 s9, $0x2;
	s25 =	simm.s32 $0x5;
	[sflag:s1] =	ssyncadd.s32 $0xFFFFE000  }
0x4c: {  	[tilespmem:s11], [sflag:$0x1] =	stream.indirect.gather [hbm4b:s5+s18], $0x40, s10, s18, $0xb8;
	[tilespmem:$0x16400] =	vst v63  }
0x4d: {  	s11 =	sadd.s32 $0xFFFFC000, s13;
	_ =	swait.ge [sflag:s25], $0x2000  }
0x4e: {  	s11 =	sshrl.u32 s11, $0x3;
	[sflag:s25] =	ssyncset.done $0x0  }
0x4f: {  	s11 =	sadd.s32 s2, s11;
	[sflag:s25] =	ssyncadd.s32 $0xFFFFE000  }
0x50: {  	[hbm4b:s11+s4] =	stream.linear.scatter [tilespmem:s12], [sflag:$0xD], $0x2000, $0x38;
	[tilespmem:$0x16400] =	vst v63  }
0x51: {  	_ =	swait.ge [sflag:s0], $0x2000  }
0x52: {  	[sflag:s0] =	ssyncset.done $0x0  }
0x53: {  	s12 =	sadd.s32 $0x80, s10;
	[sflag:s0] =	ssyncadd.s32 $0xFFFFE000  }
0x54: {  	[tilespmem:s14], [sflag:$0x2] =	stream.indirect.gather [hbm4b:s5+s18], $0x40, s12, s18, $0xb8;
	[tilespmem:$0x16400] =	vst v63  }
0x55: {  	s14 =	simm.s32 $0x6  }
0x56: {  	s25 =	sadd.s32 $0xFFFFE000, s13;
	_ =	swait.ge [sflag:s14], $0x2000  }
0x57: {  	s11 =	sshrl.u32 s25, $0x3;
	[sflag:s14] =	ssyncset.done $0x0  }
0x58: {  	s11 =	sadd.s32 s2, s11;
	[sflag:s14] =	ssyncadd.s32 $0xFFFFE000  }
0x59: {  	[hbm4b:s11+s4] =	stream.linear.scatter [tilespmem:s17], [sflag:$0xE], $0x2000, $0x38;
	[tilespmem:$0x16400] =	vst v63  }
0x5a: {  	_ =	swait.ge [sflag:s6], $0x2000  }
0x5b: {  	[sflag:s6] =	ssyncset.done $0x0  }
0x5c: {  	s14 =	sadd.s32 $0x100, s10;
	[sflag:s6] =	ssyncadd.s32 $0xFFFFE000  }
0x5d: {  	[tilespmem:s15], [sflag:$0x3] =	stream.indirect.gather [hbm4b:s5+s18], $0x40, s14, s18, $0xb8;
	[tilespmem:$0x16400] =	vst v63  }
0x5e: {  	s15 =	simm.s32 $0x7  }
0x5f: {  	_ =	swait.ge [sflag:s15], $0x2000  }
0x60: {  	s17 =	sshrl.u32 s13, $0x3;
	[sflag:s15] =	ssyncset.done $0x0  }
0x61: {  	s11 =	sadd.s32 s2, s17;
	[sflag:s15] =	ssyncadd.s32 $0xFFFFE000  }
0x62: {  	[hbm4b:s11+s4] =	stream.linear.scatter [tilespmem:s19], [sflag:$0xF], $0x2000, $0x38;
	[tilespmem:$0x16400] =	vst v63  }
0x63: {  	s30 =	simm.s32 $0x12400;
	_ =	swait.ge [sflag:s7], $0x2000  }
0x64: {  	s28 =	simm.s32 $0xC400;
	s29 =	simm.s32 $0x10400;
	[sflag:s7] =	ssyncset.done $0x0  }
0x65: {  	s10 =	sadd.s32 $0x180, s10;
	s19 =	simm.s32 $0x8;
	[sflag:s7] =	ssyncadd.s32 $0xFFFFE000  }
0x66: {  	[tilespmem:s16], [sflag:$0x4] =	stream.indirect.gather [hbm4b:s5+s18], $0x40, s10, s18, $0xb8;
	[tilespmem:$0x16400] =	vst v63  }
0x67: {  	s31 =	simm.s32 $0x14400;
	s25 =	sadd.s32 $0x2000, s13;
	_ =	swait.ge [sflag:s19], $0x2000  }
0x68: {  	s12 =	sadd.s32 $0x100, s21;
	s10 =	sshrl.u32 s25, $0x3;
	[sflag:s19] =	ssyncset.done $0x0  }
0x69: {  	s17 =	simm.s32 $0xA400;
	s10 =	sadd.s32 s2, s10;
	[sflag:s19] =	ssyncadd.s32 $0xFFFFE000  }
0x6a: {  	[hbm4b:s10+s4] =	stream.linear.scatter [tilespmem:s23], [sflag:$0x10], $0x2000, $0x38;
	[tilespmem:$0x16400] =	vst v63  }
0x6b: {  	s14 =	simm.s32 $0xE400;
	s15 =	simm.s32 $0x6400;
	_ =	swait.ge [sflag:s8], $0x2000  }
0x6c: {  	s11 =	sadd.s32 $0x180, s21;
	s16 =	simm.s32 $0x8400;
	[sflag:s8] =	ssyncset.done $0x0  }
0x6d: {  	s19 =	sadd.s32 $0x80, s21;
	s10 =	smov.u32 s21;
	[sflag:s8] =	ssyncadd.s32 $0xFFFFE000  }
.LBB2_5:
0x6e: {  	s23 =	sshra.s32 s9, $0x2  }
0x6f: {  	s10 =	sadd.s32 s3, s10;
	s25 =	sadd.s32 $0x200, s23  }
0x70: {  	[tilespmem:s14], [sflag:$0x5] =	stream.indirect.gather [hbm4b:s5+s18], $0x40, s25, s18, $0xb8;
	[tilespmem:$0x16400] =	vst v63  }
0x71: {  	s10 =	sshll.u32 s10, $0x3;
	_ =	swait.ge [sflag:s20], $0x2000  }
0x72: {  	s10 =	sand.u32 $0x1FFFE000, s10;
	[sflag:s20] =	ssyncset.done $0x0  }
0x73: {  	p0 =	seq.s32 s9, $0x0;
	s10 =	sadd.s32 s2, s10;
	[sflag:s20] =	ssyncadd.s32 $0xFFFFE000  }
0x74: {  	[hbm4b:s10+s4] =	stream.linear.scatter [tilespmem:s15], [sflag:$0x9], $0x2000, $0x38;
	[tilespmem:$0x16400] =	vst v63  }
0x75: {  	s10 =	simm.s32 @!p0 $0xE  }
0x76: {  	_ =	swait.ge @!p0 [sflag:s10], $0x2000  }
0x77: {  	[sflag:s10] =	ssyncset.done @!p0 $0x0  }
0x78: {  	s19 =	sadd.s32 s3, s19;
	s15 =	sadd.s32 $0x280, s23;
	[sflag:s10] =	ssyncadd.s32 @!p0 $0xFFFFE000  }
0x79: {  	[tilespmem:s29], [sflag:$0x6] =	stream.indirect.gather [hbm4b:s5+s18], $0x40, s15, s18, $0xb8;
	[tilespmem:$0x16400] =	vst v63  }
0x7a: {  	s10 =	sshll.u32 s19, $0x3;
	_ =	swait.ge [sflag:s22], $0x2000  }
0x7b: {  	s10 =	sand.u32 $0x1FFFE400, s10;
	[sflag:s22] =	ssyncset.done $0x0  }
0x7c: {  	s10 =	sadd.s32 s2, s10;
	[sflag:s22] =	ssyncadd.s32 $0xFFFFE000  }
0x7d: {  	[hbm4b:s10+s4] =	stream.linear.scatter [tilespmem:s16], [sflag:$0xA], $0x2000, $0x38;
	[tilespmem:$0x16400] =	vst v63  }
0x7e: {  	s10 =	simm.s32 @!p0 $0xF  }
0x7f: {  	_ =	swait.ge @!p0 [sflag:s10], $0x2000  }
0x80: {  	[sflag:s10] =	ssyncset.done @!p0 $0x0  }
0x81: {  	s25 =	sadd.s32 $0x300, s23;
	s29 =	sadd.s32 s3, s12;
	[sflag:s10] =	ssyncadd.s32 @!p0 $0xFFFFE000  }
0x82: {  	[tilespmem:s30], [sflag:$0x7] =	stream.indirect.gather [hbm4b:s5+s18], $0x40, s25, s18, $0xb8;
	[tilespmem:$0x16400] =	vst v63  }
0x83: {  	s10 =	sshll.u32 s29, $0x3;
	_ =	swait.ge [sflag:s24], $0x2000  }
0x84: {  	s10 =	sand.u32 $0x1FFFE800, s10;
	[sflag:s24] =	ssyncset.done $0x0  }
0x85: {  	s9 =	sadd.s32 $0x1000, s9;
	s10 =	sadd.s32 s2, s10;
	[sflag:s24] =	ssyncadd.s32 $0xFFFFE000  }
0x86: {  	[hbm4b:s10+s4] =	stream.linear.scatter [tilespmem:s17], [sflag:$0xB], $0x2000, $0x38;
	[tilespmem:$0x16400] =	vst v63  }
0x87: {  	s21 =	sadd.s32 $0x400, s21;
	s13 =	sadd.s32 $0x10000, s13;
	s10 =	simm.s32 @!p0 $0x10  }
0x88: {  	s14 =	simm.s32 $0x8400;
	s19 =	simm.s32 $0x12400;
	_ =	swait.ge @!p0 [sflag:s10], $0x2000  }
0x89: {  	s12 =	simm.s32 $0xE400;
	s15 =	simm.s32 $0xA400;
	[sflag:s10] =	ssyncset.done @!p0 $0x0  }
0x8a: {  	s30 =	sadd.s32 $0x380, s23;
	[sflag:s10] =	ssyncadd.s32 @!p0 $0xFFFFE000;
	p0 =	sne.s32 s9, $0x19000  }
0x8b: {  	[tilespmem:s31], [sflag:$0x8] =	stream.indirect.gather [hbm4b:s5+s18], $0x40, s30, s18, $0xb8;
	[tilespmem:$0x16400] =	vst v63  }
.Ltmp3:
0x8c: {  	s16 =	simm.s32 $0xC400;
	s31 =	sadd.s32 s3, s11;
	(pc) =	sbr.rel @!p0 .LBB2_6-.Ltmp3, $4  }
0x8d: {  	s23 =	simm.s32 $0x14400;
	_ =	swait.ge [sflag:s26], $0x2000;
	s10 =	sshll.u32 s31, $0x3  }
0x8e: {  	s17 =	simm.s32 $0x10400;
	[sflag:s26] =	ssyncset.done $0x0;
	s10 =	sand.u32 $0x1FFFEC00, s10  }
0x8f: {  	s11 =	simm.s32 $0x6400;
	[sflag:s26] =	ssyncadd.s32 $0xFFFFE000;
	s10 =	sadd.s32 s2, s10  }
0x90: {  	[hbm4b:s10+s4] =	stream.linear.scatter [tilespmem:s28], [sflag:$0xC], $0x2000, $0x38;
	[tilespmem:$0x16400] =	vst v63  }
.LBB2_2:
0x91: {  	p0 =	sne.s32 s9, $0x0  }
.Ltmp4:
0x92: {  	_ = 	snop;
	(pc) =	sbr.rel @p0 .LBB2_4-.Ltmp4, $1  }
0x93: {  	_ =	sdelay $0x3  }
0x94: {  	s19 =	simm.s32 $0x80;
	s10 =	simm.s32 $0x0  }
0x95: {  	[tilespmem:s11], [sflag:$0x1] =	stream.indirect.gather [hbm4b:s5+s19], $0x40, s10, s19, $0xb8;
	[tilespmem:$0x16400] =	vst v63  }
0x96: {  	s30 =	simm.s32 $0x12400;
	s12 =	simm.s32 $0x100  }
0x97: {  	[tilespmem:s14], [sflag:$0x2] =	stream.indirect.gather [hbm4b:s5+s19], $0x40, s19, s19, $0xb8;
	[tilespmem:$0x16400] =	vst v63  }
.Ltmp5:
0x98: {  	s17 =	simm.s32 $0xA400;
	s28 =	simm.s32 $0xC400;
	(pc) =	sbr.rel .LBB2_5-.Ltmp5, $4  }
0x99: {  	[tilespmem:s15], [sflag:$0x3] =	stream.indirect.gather [hbm4b:s5+s19], $0x40, s12, s19, $0xb8;
	[tilespmem:$0x16400] =	vst v63  }
0x9a: {  	s29 =	simm.s32 $0x10400;
	s31 =	simm.s32 $0x14400;
	s11 =	simm.s32 $0x180  }
0x9b: {  	[tilespmem:s16], [sflag:$0x4] =	stream.indirect.gather [hbm4b:s5+s19], $0x40, s11, s19, $0xb8;
	[tilespmem:$0x16400] =	vst v63  }
0x9c: {  	s14 =	simm.s32 $0xE400;
	s15 =	simm.s32 $0x6400;
	s16 =	simm.s32 $0x8400  }
.LBB2_7:
0x9d: {  	_ =	sfence.sel $0x180000  }
0x9e: {  	[bflag:$0x0] =	sbarrier.arrive $0xFFFF  }
0x9f: {  	_ =	strace $0x90000047  }
0xa0: {  	s0 =	stileid.u32;
	[bflag:$0x2] =	sbarrier.arrive $0xFFFF  }
0xa1: {  	p0 =	sne.s32 s0, $0x0;
	s0 =	rddreg [dreg:$0x2]  }
0xa2: {  	s0 =	sadd.s32 @!p0 $0x100000, s0  }
0xa3: {  	[sflag:s0] =	ssyncadd.tile.s32 @!p0 $0x1;
	_ =	shalt  }
.Lfunc_end2:
_tile_overlayer_lowered:
.L_overlay_start_2:
0xa4: {  	(tag) =	ssettag $0x2  }
0xa5: {  	s0 =	rddreg [dreg:$0x0];
	s2 =	stileid.u32  }
0xa6: {  	s1 =	rddreg [dreg:$0x1];
	p0 =	sne.s32 s2, $0x0  }
0xa7: {  	s3 =	rddreg [dreg:$0x2];
	[bflag:$0x3] =	sbarrier.arrive $0xFFFF;
	s2 =	simm.s32 @!p0 $0x1C11  }
0xa8: {  	[timem:s3], [sflag:s2] =	dma.local @!p0 [hbm:s0], s1  }
0xa9: {  	s0 =	simm.s32 @!p0 $0x11  }
0xaa: {  	_ =	swait.ge @!p0 [sflag:s0], s1  }
0xab: {  	s1 =	ssub.s32 @!p0 $0x0, s1;
	[sflag:s0] =	ssyncset.done @!p0 $0x0  }
0xac: {  	[sflag:s0] =	ssyncadd.s32 @!p0 s1  }
0xad: {  	[bflag:$0x3] =	sbarrier.arrive $0xFFFF  }
0xae: {  	_ =	shalt  }

// kernel: sparse-core-data-format-call.cloned.1.call-start
scs
called_computation_lowered:
.L_overlay_start_0:
0x0: {  	s2 =	sld [smem:$0x3FD9]  }
0x1: {  	s3 =	sld [smem:$0x3FFE];
	_ =	sdelay $0x1  }
0x2: {  	s1 =	srdreg.scid  }
0x3: {  	s0 =	sand.u32 $0x1, s1  }
0x4: {  	s18 =	sshll.u32 s0, $0xA;
	s2 =	sadd.s32 s3, s2  }
0x5: {  	s2 =	sadd.s32 s2, s18  }
0x6: {  	[smem:$0x3FC6] =	sst s2  }
0x7: {  	_ = 	snop  }
0x8: {  	s2 =	sld [smem:$0x3FD0];
	(tm) =	ssettm $0x1  }
0x9: {  	s19 =	sld [smem:$0x3FFB];
	_ =	sdelay $0x3  }
0xa: {  	_ =	strace s19  }
0xb: {  	s3 =	sld [smem:$0x3FFC];
	_ =	sdelay $0x3  }
0xc: {  	_ =	strace s3  }
0xd: {  	s3 =	sld [smem:$0x3FFD];
	_ =	sdelay $0x3  }
0xe: {  	_ =	strace s3  }
0xf: {  	_ =	strace $0x8FFFFFFF  }
0x10: {  	s20 =	sld [smem:$0x3FDB];
	_ =	sdelay $0x1  }
0x11: {  	s4 =	simm.s32 $_scs_section_size  }
0x12: {  	s5 =	simm.s32 $_size__tile_overlayer_lowered;
	s6 =	simm.s32 $_tile_overlayer_lowered  }
0x13: {  	s23 =	simm.s32 $0x1BFF;
	s22 =	sshll.u32 s6, $0x1;
	s3 =	sadd.s32 s4, s20  }
0x14: {  	s7 =	simm.s32 $0x0;
	s21 =	sshll.u32 s5, $0x1;
	s5 =	sadd.s32 s22, s3  }
0x15: {  	[timem:s7], [sflag:s23] =	dma.local [hbm:s5], s21  }
0x16: {  	_ =	swait.ge [sflag:s23], s21  }
0x17: {  	s4 =	ssub.s32 $0x0, s21;
	[sflag:s23] =	ssyncset.done $0x0  }
0x18: {  	[sflag:s23] =	ssyncadd.s32 s4;
	_ =	sdelay $0x1  }
0x19: {  	s24 =	simm.s32 $0x1B8B  }
0x1a: {  	_ =	swait.ge [sflag:s24], $0x1  }
0x1b: {  	[sflag:s24] =	ssyncset.done $0x0  }
0x1c: {  	s26 =	simm.s32 $0x1B8E;
	s25 =	sld [smem:$0x3FFE];
	[sflag:s24] =	ssyncadd.s32 $0xFFFFFFFF  }
0x1d: {  	s27 =	simm.s32 $execute0_lowered;
	[smem:$0x3FD2] =	sst s26  }
0x1e: {  	s5 =	sshll.u32 s27, $0x1;
	_ =	strace $0x80000049;
	[dreg:$0x1] =	wrdreg $0xFFFFFFFF  }
0x1f: {  	s28 =	simm.s32 $_size_execute0_lowered;
	s3 =	sadd.s32 s3, s5;
	[dreg:$0x0] =	wrdreg $0x0  }
0x20: {  	s5 =	sshll.u32 s28, $0x1;
	[dreg:$0x2] =	wrdreg s3  }
0x21: {  	[dreg:$0x3] =	wrdreg s5  }
0x22: {  	[dreg:$0x4] =	wrdreg $0xC0  }
0x23: {  	_ =	task [dreg:s7], $0x5FFFF  }
0x24: {  	[dreg:$0x1] =	wrdreg $0xFFFFFFFF  }
0x25: {  	[dreg:$0x0] =	wrdreg $0x60  }
0x26: {  	[dreg:$0x2] =	wrdreg s25  }
0x27: {  	[dreg:$0x3] =	wrdreg s2  }
0x28: {  	[dreg:$0x4] =	wrdreg $0x9  }
0x29: {  	_ =	task.clear_ibuf [dreg:s7], $0x5FFFF;
	_ =	strace $0x90000049  }
0x2a: {  	s29 =	simm.s32 $0x9;
	_ =	strace $0x8000004B  }
0x2b: {  	_ =	swait.ge [sflag:s29], $0x1  }
0x2c: {  	[sflag:s29] =	ssyncadd.s32 $0xFFFFFFFF  }
0x2d: {  	_ =	strace $0x9000004B  }
0x2e: {  	_ =	sfence  }
0x2f: {  	s30 =	sld [smem:$0x0];
	_ =	sdelay $0x2  }
0x30: {  	s31 =	sshll.u32 s1, $0xD;
	s1 =	sshrl.u32 s1, $0x2  }
0x31: {  	s3 =	sand.u32 $0x4000, s31;
	s1 =	sadd.s32 s1, s30  }
0x32: {  	s0 =	sor.u32 s3, s0;
	s1 =	sshll.u32 s1, $0x11  }
0x33: {  	s0 =	sor.u32 s1, s0  }
0x34: {  	s0 =	sadd.s32 $0x8F2B, s0  }
0x35: {  	[sflag:s0] =	ssyncadd.remote.s32 $0x1  }
0x36: {  	_ =	sfence.sel $0xFFFF  }
0x37: {  	[dreg:$0x0] =	wrdreg $0xFFFFFFFF;
	(pc) =	sbr.abs _section_cstart, $3  }
0x38: {  	[dreg:$0x1] =	wrdreg $0xFFFFFFFF  }
0x39: {  	_ =	task.clear_ibuf [dreg:s7], $0x2FFFF;
	_ =	strace $0x9FFFFFFF  }
0x3a: {  	(tm) =	ssettm $0x7FFFFFFF  }
0x3b: {  	_ =	shalt  }
tec
execute0_lowered:
.L_overlay_start_1:
0x0: {  	(tag) =	ssettag $0x1  }
0x1: {  	s0 =	srdreg.scid  }
0x2: {  	s1 =	sshll.u32 s0, $0x4  }
0x3: {  	s0 =	stileid.u32;
	s1 =	sand.u32 $0x10, s1  }
0x4: {  	s1 =	sor.u32 s0, s1  }
0x5: {  	s6 =	rddreg [dreg:$0x0];
	s4 =	simm.s32 $0x1;
	s2 =	sshll.u32 s1, $0x7  }
0x6: {  	s7 =	simm.s32 $0x2;
	s12 =	simm.s32 $0x0;
	s1 =	ssub.s32 $0x1000, s2  }
0x7: {  	s8 =	simm.s32 $0x8000;
	s13 =	simm.s32 $0x0;
	s3 =	sand.u32 $0xF80, s1  }
0x8: {  	s9 =	simm.s32 $0x0;
	s5 =	sshrl.u32 s1, $0xC;
	p0 =	sne.s32 s3, $0x0  }
.Ltmp0:
0x9: {  	s1 =	rddreg [dreg:$0x2];
	s4 =	simm.s32 @!p0 $0x0;
	(pc) =	sbr.rel .LBB1_1-.Ltmp0, $4  }
0xa: {  	s11 =	simm.s32 $0x0;
	s3 =	rddreg [dreg:$0x1];
	s5 =	sadd.s32 s4, s5  }
0xb: {  	_ =	strace $0x8000004A;
	s4 =	simm.s32 $0x1;
	s5 =	smul.u32 $0xC8, s5  }
0xc: {  	s6 =	sadd.s32 $0xA00, s6;
	s10 =	smov.u32 s2;
	[sflag:s4] =	ssyncpa.u1 $0x0  }
0xd: {  	p0 =	por $0x0, $0x0;
	[sflag:s7] =	ssyncpa.u1 $0x0;
	s7 =	sor.u32 $0x1, s5  }
.LBB1_4:
0xe: {  	s16 =	sshll.u32 s13, $0x3;
	s17 =	sand.u32 $0x78, s13  }
0xf: {  	s30 =	sand.u32 $0x7E00, s13;
	s12 =	sshll.u32 s12, $0xF;
	s16 =	sand.u32 $0xC00, s16  }
0x10: {  	[tilespmem:s15+$0x810 ss:$0x81] =	vst.msk $0xffff, v2;
	s31 =	sand.u32 $0x7, s13;
	s16 =	sor.u32 s17, s16;
	s17 =	sadd.s32 s3, s30  }
0x11: {  	[tilespmem:s15+$0x1020 ss:$0x81] =	vst.msk $0xffff, v0;
	s13 =	sshll.u32 s31, $0x12;
	s12 =	sadd.s32 s12, s17;
	s16 =	sshrl.u32 s16, $0x3  }
0x12: {  	[tilespmem:s15+$0x0 ss:$0x81] =	vst.msk $0xffff, v1;
	s13 =	sor.u32 $0x400, s13;
	s12 =	sadd.s32 s16, s12  }
0x13: {  	[hbm4b:s12+s13] =	stream.strided.scatter [tilespmem:s14], [sflag:$0x2], $0x2000, s8, s13, $0x20;
	[tilespmem:$0x8080] =	vst v63  }
.LBB1_5:
0x14: {  	s14 =	sadd.s32 $0x1, s9  }
0x15: {  	s12 =	sadd.s32 $0x1000, s10;
	s16 =	smov.u32 s10;
	p2 =	sgt.s32 s14, $0xC7  }
0x16: {  	s16 =	smov.u32 @p2 s12  }
0x17: {  	s14 =	simm.s32 @p2 $0x0;
	p2 =	sgt.s32 s16, $0xFFF  }
0x18: {  	s16 =	smov.u32 @p2 s2;
	p2 =	sne.s32 s11, s7  }
.Ltmp1:
0x19: {  	p1 =	slt.u32 s11, $0x2;
	(pc) =	sbr.rel @!p2 .LBB1_6-.Ltmp1, $4  }
0x1a: {  	s15 =	simm.s32 @!p1 $0x2  }
0x1b: {  	s13 =	smov.u32 s10;
	p0 =	por !p0, !p0;
	_ =	swait.ge @!p1 [sflag:s15], $0x2000  }
0x1c: {  	s12 =	smov.u32 s9;
	[sflag:s15] =	ssyncset.done @!p1 $0x0;
	s9 =	smov.u32 s14  }
0x1d: {  	s11 =	sadd.s32 $0x1, s11;
	[sflag:s15] =	ssyncadd.s32 @!p1 $0xFFFFE000;
	s10 =	smov.u32 s16  }
.LBB1_1:
0x1e: {  	p1 =	sge.u32 s11, s5  }
0x1f: {  	s14 =	sand.u32 @!p1 $0x1FFFFFF, s9  }
0x20: {  	s15 =	smulhi.u32 @!p1 $0x147AE15, s14;
	_ =	sdelay $0x1  }
0x21: {  	s15 =	smul.u32 @!p1 $0xC8, s15  }
0x22: {  	s16 =	sxor.u32 @!p1 $0xFFFFFFFF, s11;
	s17 =	smul.u32 @!p1 $0xC80, s10  }
0x23: {  	s31 =	sadd.s32 $0xFFFFFFFF, s11;
	s16 =	sshll.u32 @!p1 s16, $0xD;
	s14 =	ssub.s32 @!p1 s14, s15  }
0x24: {  	s15 =	sand.u32 @!p1 $0x2000, s16;
	s16 =	sadd.s32 @!p1 s6, s17;
	s14 =	sshll.u32 @!p1 s14, $0x4  }
0x25: {  	s17 =	simm.s32 @!p1 $0x6400;
	s14 =	sadd.s32 @!p1 s14, s16;
	s16 =	simm.s32 @!p1 $0x40  }
0x26: {  	[tilespmem:s15], [sflag:$0x1] =	stream.strided.gather @!p1 [hbm4b:s14+s16], $0x2000, s17, s16, $0x38;
	[tilespmem:$0x8080] =	vst v63  }
0x27: {  	p1 =	sge.u32 s31, s5  }
.Ltmp2:
0x28: {  	_ = 	snop;
	(pc) =	sbr.rel @p1 .LBB1_5-.Ltmp2, $1  }
0x29: {  	_ =	sdelay $0x3  }
0x2a: {  	s14 =	simm.s32 $0x1  }
0x2b: {  	_ =	swait.ge [sflag:s4], $0x2000;
	s14 =	simm.s32 @!p0 $0x0  }
0x2c: {  	[sflag:s4] =	ssyncset.done $0x0;
	s15 =	sshll.u32 s14, $0xD  }
0x2d: {  	[sflag:s4] =	ssyncadd.s32 $0xFFFFE000;
	s18 =	sor.u32 $0x20, s15  }
0x2e: {  	s14 =	smul.u32 $0x8100, s14;
	v3 =	vld [tilespmem:s18+$0x10]  }
0x2f: {  	s30 =	sand.u32 $0x1, s11;
	v2 =	vld [tilespmem:s18+$0xFFFFFFF0]  }
0x30: {  	s15 =	smul.u32 $0x8100, s30;
	s14 =	sshrl.u32 s14, $0x2;
	v0 =	vld [tilespmem:s18+$0x0]  }
0x31: {  	v1 =	vld [tilespmem:s18+$0xFFFFFFE0];
	s16 =	sor.u32 $0x4000, s14  }
0x32: {  	s31 =	sshrl.u32 s15, $0x2;
	s15 =	sadd.s32 $0x0, s16  }
0x33: {  	s17 =	simm.s32 $0x4;
	s18 =	sadd.s32 $0x40, s18;
	s14 =	sor.u32 $0x4000, s31;
	[tilespmem:s15+$0x1830 ss:$0x81] =	vst.msk $0xffff, v3  }
.LBB1_3:
0x34: {  	v3 =	vld [tilespmem:s18+$0x10];
	p1 =	sne.s32 s17, $0x1FC;
	[tilespmem:s15+$0x810 ss:$0x81] =	vst.msk $0xffff, v2;
	s19 =	smov.u32 s17;
	s17 =	sadd.s32 $0x4, s17  }
.Ltmp3:
0x35: {  	v2 =	vld [tilespmem:s18+$0xFFFFFFF0];
	[tilespmem:s15+$0x1020 ss:$0x81] =	vst.msk $0xffff, v0;
	(pc) =	sbr.rel @p1 .LBB1_3-.Ltmp3, $4  }
0x36: {  	v0 =	vld [tilespmem:s18+$0x0];
	[tilespmem:s15+$0x0 ss:$0x81] =	vst.msk $0xffff, v1  }
0x37: {  	s15 =	sshra.s32 s19, $0x2;
	v1 =	vld [tilespmem:s18+$0xFFFFFFE0]  }
0x38: {  	s15 =	sadd.s32 s15, s16  }
0x39: {  	s18 =	sadd.s32 $0x40, s18;
	[tilespmem:s15+$0x1830 ss:$0x81] =	vst.msk $0xffff, v3  }
.Ltmp4:
0x3a: {  	_ = 	snop;
	(pc) =	sbr.rel .LBB1_4-.Ltmp4, $1  }
0x3b: {  	_ =	sdelay $0x3  }
.LBB1_6:
0x3c: {  	_ =	sfence.sel $0x180000  }
0x3d: {  	s2 =	simm.s32 $0x1;
	[bflag:$0x0] =	sbarrier.arrive $0xFFFF  }
0x3e: {  	s31 =	simm.s32 $0x2;
	[sflag:s2] =	ssyncpa.u1 $0x1  }
0x3f: {  	[sflag:s31] =	ssyncpa.u1 $0x1  }
0x40: {  	p0 =	sne.s32 s0, $0x0;
	_ =	strace $0x9000004A  }
0x41: {  	s0 =	sadd.s32 @!p0 $0x100000, s1;
	[bflag:$0x2] =	sbarrier.arrive $0xFFFF  }
0x42: {  	[sflag:s0] =	ssyncadd.tile.s32 @!p0 $0x1;
	_ =	shalt  }
.Lfunc_end1:
_tile_overlayer_lowered:
.L_overlay_start_2:
0x43: {  	(tag) =	ssettag $0x2  }
0x44: {  	s0 =	rddreg [dreg:$0x0];
	s2 =	stileid.u32  }
0x45: {  	s1 =	rddreg [dreg:$0x1];
	p0 =	sne.s32 s2, $0x0  }
0x46: {  	s3 =	rddreg [dreg:$0x2];
	[bflag:$0x3] =	sbarrier.arrive $0xFFFF;
	s2 =	simm.s32 @!p0 $0x1C01  }
0x47: {  	[timem:s3], [sflag:s2] =	dma.local @!p0 [hbm:s0], s1  }
0x48: {  	s0 =	simm.s32 @!p0 $0x1  }
0x49: {  	_ =	swait.ge @!p0 [sflag:s0], s1  }
0x4a: {  	s1 =	ssub.s32 @!p0 $0x0, s1;
	[sflag:s0] =	ssyncset.done @!p0 $0x0  }
0x4b: {  	[sflag:s0] =	ssyncadd.s32 @!p0 s1  }
0x4c: {  	[bflag:$0x3] =	sbarrier.arrive $0xFFFF  }
0x4d: {  	_ =	shalt  }

</sc_bundles>
